<compile_context>
chip_gen: v7x
topology: tpu7x:2x2x1
jax: 0.10.2.dev20260603
libtpu: 0.0.44.dev20260713+nightly
codegen_flags: <defaults>
</compile_context>

<pallas_src>
import functools

import jax
import jax.numpy as jnp
from jax import lax
from jax.experimental import pallas as pl
from jax.experimental.pallas import tpu as pltpu
from jax.experimental.pallas import tpu_sc as plsc

N_NODES = 10000
NP = 10240
D = 128
E_EDGES = 320000
NCORE = 2
NSUB = 16
NW = NCORE * NSUB
B_EDGE = 128
NBT = E_EDGES // B_EDGE
NB_FLOOR = NBT // NW
REM = NBT - NB_FLOOR * NW
NB_MAX = NB_FLOOR + 1
RPW = NP // NSUB
ACC_R = 10112
ARPW = ACC_R // NSUB
ZR = 128
ROWS_TC = 1024
GRID_TC = NP // ROWS_TC

_mesh = plsc.VectorSubcoreMesh(core_axis_name="c", subcore_axis_name="s")


def _fill_batch_row_ids(rowids_ref, base, nb):
    for i in range((NB_MAX + 15) // 16 * 16 // 16):
        loc = jnp.minimum(lax.iota(jnp.int32, 16) + (i * 16), nb - 1)
        rowids_ref[pl.ds(i * 16, 16)] = loc + base



@functools.partial(
    pl.kernel,
    out_type=jax.ShapeDtypeStruct((NCORE, 2, NP), jnp.float32),
    mesh=_mesh,
    scratch_types=[
        pltpu.VMEM((80,), jnp.int32),
        pltpu.VMEM((80,), jnp.int32),
        pltpu.VMEM((80, B_EDGE), jnp.int32),
        pltpu.VMEM((80, B_EDGE), jnp.int32),
        pltpu.VMEM((B_EDGE,), jnp.float32),
        pltpu.VMEM_SHARED((NP,), jnp.float32),
        pltpu.VMEM_SHARED((NP,), jnp.float32),
        pltpu.SemaphoreType.DMA,
        pltpu.SemaphoreType.DMA,
    ],
)
def _deg_kernel(e2_hbm, ones_hbm, z1_hbm, out_hbm, rowids, rowids2, src_all,
                dst_all, ones_v, hsrc, hdst, sem0, sem1):
    c = lax.axis_index("c")
    s = lax.axis_index("s")
    wid = c * NSUB + s
    nb = NB_FLOOR + jnp.where(wid < REM, 1, 0)
    rbase = wid * NB_FLOOR + jnp.minimum(wid, REM)
    _fill_batch_row_ids(rowids, rbase, nb)
    _fill_batch_row_ids(rowids2, NBT + rbase, nb)
    a0 = pltpu.async_copy(e2_hbm.at[rowids], src_all, sem0)
    a1 = pltpu.async_copy(e2_hbm.at[rowids2], dst_all, sem1)
    pltpu.sync_copy(z1_hbm, hsrc.at[pl.ds(s * RPW, RPW)])
    pltpu.sync_copy(z1_hbm, hdst.at[pl.ds(s * RPW, RPW)])
    pltpu.sync_copy(ones_hbm, ones_v)
    a0.wait()
    a1.wait()
    plsc.subcore_barrier()

    pltpu.async_copy(ones_v, hsrc.at[src_all.at[0]], sem0, add=True)
    pltpu.async_copy(ones_v, hdst.at[dst_all.at[0]], sem1, add=True)

    def body(j, carry):
        pltpu.async_copy(ones_v, hsrc.at[src_all.at[j]], sem0, add=True)
        pltpu.async_copy(ones_v, hdst.at[dst_all.at[j]], sem1, add=True)
        pltpu.make_async_copy(ones_hbm, ones_v, sem0).wait()
        pltpu.make_async_copy(ones_hbm, ones_v, sem1).wait()
        return carry

    lax.fori_loop(1, nb, body, 0)
    pltpu.make_async_copy(ones_hbm, ones_v, sem0).wait()
    pltpu.make_async_copy(ones_hbm, ones_v, sem1).wait()
    plsc.subcore_barrier()
    pltpu.sync_copy(hsrc.at[pl.ds(s * RPW, RPW)], out_hbm.at[c, 0, pl.ds(s * RPW, RPW)])
    pltpu.sync_copy(hdst.at[pl.ds(s * RPW, RPW)], out_hbm.at[c, 1, pl.ds(s * RPW, RPW)])



@functools.partial(
    pl.kernel,
    out_type=jax.ShapeDtypeStruct((NCORE, ACC_R, D), jnp.float32),
    mesh=_mesh,
    scratch_types=[
        pltpu.VMEM((80,), jnp.int32),
        pltpu.VMEM((80, B_EDGE), jnp.int32),
        pltpu.VMEM((B_EDGE,), jnp.int32),
        pltpu.VMEM((B_EDGE,), jnp.int32),
        pltpu.VMEM((B_EDGE, D), jnp.float32),
        pltpu.VMEM((B_EDGE, D), jnp.float32),
        pltpu.VMEM_SHARED((ACC_R, D), jnp.float32),
        pltpu.SemaphoreType.DMA,
        pltpu.SemaphoreType.DMA,
        pltpu.SemaphoreType.DMA,
        pltpu.SemaphoreType.DMA,
        pltpu.SemaphoreType.DMA,
    ],
)
def _agg_kernel(y_hbm, e2_hbm, z2_hbm, out_hbm, rowids, src_all,
                dst_v0, dst_v1, rows0, rows1, acc, semi, semd0, semd1,
                sem0, sem1):
    c = lax.axis_index("c")
    s = lax.axis_index("s")
    wid = c * NSUB + s
    nb = NB_FLOOR + jnp.where(wid < REM, 1, 0)
    rbase = wid * NB_FLOOR + jnp.minimum(wid, REM)
    dbase = NBT + rbase
    _fill_batch_row_ids(rowids, rbase, nb)
    a0 = pltpu.async_copy(e2_hbm.at[rowids], src_all, semi)
    pltpu.async_copy(e2_hbm.at[dbase], dst_v0, semd0)
    pltpu.async_copy(e2_hbm.at[dbase + 1], dst_v1, semd1)
    for k in range(ARPW // ZR):
        pltpu.sync_copy(z2_hbm, acc.at[pl.ds(s * ARPW + k * ZR, ZR)])
    pltpu.sync_copy(z2_hbm.at[pl.ds(0, ARPW % ZR)],
                    acc.at[pl.ds(s * ARPW + (ARPW // ZR) * ZR, ARPW % ZR)])
    a0.wait()
    pltpu.async_copy(y_hbm.at[src_all.at[0]], rows0, sem0)
    pltpu.async_copy(y_hbm.at[src_all.at[1]], rows1, sem1)
    plsc.subcore_barrier()

    def body(jj, carry):
        j = jj * 2
        jn0 = jnp.minimum(j + 2, nb - 1)
        jn1 = jnp.minimum(j + 3, nb - 1)
        pltpu.make_async_copy(z2_hbm, rows0, sem0).wait()
        pltpu.make_async_copy(e2_hbm.at[dbase], dst_v0, semd0).wait()
        pltpu.sync_copy(rows0, acc.at[dst_v0], add=True)
        pltpu.async_copy(e2_hbm.at[dbase + jn0], dst_v0, semd0)
        pltpu.async_copy(y_hbm.at[src_all.at[jn0]], rows0, sem0)
        pltpu.make_async_copy(z2_hbm, rows1, sem1).wait()
        pltpu.make_async_copy(e2_hbm.at[dbase], dst_v1, semd1).wait()
        pltpu.sync_copy(rows1, acc.at[dst_v1], add=True)
        pltpu.async_copy(e2_hbm.at[dbase + jn1], dst_v1, semd1)
        pltpu.async_copy(y_hbm.at[src_all.at[jn1]], rows1, sem1)
        return carry

    lax.fori_loop(0, NB_FLOOR // 2, body, 0)
    pltpu.make_async_copy(z2_hbm, rows0, sem0).wait()
    pltpu.make_async_copy(e2_hbm.at[dbase], dst_v0, semd0).wait()

    @pl.when(wid < REM)
    def _():
        pltpu.sync_copy(rows0, acc.at[dst_v0], add=True)

    pltpu.make_async_copy(z2_hbm, rows1, sem1).wait()
    pltpu.make_async_copy(e2_hbm.at[dbase], dst_v1, semd1).wait()
    plsc.subcore_barrier()
    pltpu.sync_copy(acc.at[pl.ds(s * ARPW, ARPW)], out_hbm.at[c, pl.ds(s * ARPW, ARPW)])



def _mm_scale_body(x_ref, w_ref, dsrc_ref, y_ref):
    deg = dsrc_ref[0, :] + dsrc_ref[1, :]
    ns = lax.rsqrt(jnp.maximum(deg, 1.0))
    y_ref[...] = jnp.dot(x_ref[...], w_ref[...],
                         preferred_element_type=jnp.float32) * ns[:, None]


_mm_scale = pl.pallas_call(
    _mm_scale_body,
    grid=(GRID_TC,),
    in_specs=[
        pl.BlockSpec((ROWS_TC, D), lambda i: (i, 0)),
        pl.BlockSpec((D, D), lambda i: (0, 0)),
        pl.BlockSpec((NCORE, ROWS_TC), lambda i: (0, i)),
    ],
    out_specs=pl.BlockSpec((ROWS_TC, D), lambda i: (i, 0)),
    out_shape=jax.ShapeDtypeStruct((NP, D), jnp.float32),
)


def _comb_mm_body(p_ref, ddst_ref, b_ref, dsrc_ref, w_ref, y_ref):
    nd = lax.rsqrt(jnp.maximum(ddst_ref[0, :] + ddst_ref[1, :], 1.0))
    h = jnp.maximum((p_ref[0] + p_ref[1]) * nd[:, None] + b_ref[...], 0.0)
    ns = lax.rsqrt(jnp.maximum(dsrc_ref[0, :] + dsrc_ref[1, :], 1.0))
    y_ref[...] = jnp.dot(h, w_ref[...],
                         preferred_element_type=jnp.float32) * ns[:, None]


_comb_mm = pl.pallas_call(
    _comb_mm_body,
    grid=(GRID_TC,),
    in_specs=[
        pl.BlockSpec((NCORE, ROWS_TC, D), lambda i: (0, i, 0)),
        pl.BlockSpec((NCORE, ROWS_TC), lambda i: (0, i)),
        pl.BlockSpec((1, D), lambda i: (0, 0)),
        pl.BlockSpec((NCORE, ROWS_TC), lambda i: (0, i)),
        pl.BlockSpec((D, D), lambda i: (0, 0)),
    ],
    out_specs=pl.BlockSpec((ROWS_TC, D), lambda i: (i, 0)),
    out_shape=jax.ShapeDtypeStruct((NP, D), jnp.float32),
)


def _final_body(p_ref, ddst_ref, b_ref, out_ref):
    nd = lax.rsqrt(jnp.maximum(ddst_ref[0, :] + ddst_ref[1, :], 1.0))
    z = jnp.maximum((p_ref[0] + p_ref[1]) * nd[:, None] + b_ref[...], 0.0)
    z = z - jnp.max(z, axis=1, keepdims=True)
    e = jnp.exp(z)
    out_ref[...] = e / jnp.sum(e, axis=1, keepdims=True)


_final = pl.pallas_call(
    _final_body,
    grid=(GRID_TC,),
    in_specs=[
        pl.BlockSpec((NCORE, ROWS_TC, D), lambda i: (0, i, 0)),
        pl.BlockSpec((NCORE, ROWS_TC), lambda i: (0, i)),
        pl.BlockSpec((1, D), lambda i: (0, 0)),
    ],
    out_specs=pl.BlockSpec((ROWS_TC, D), lambda i: (i, 0)),
    out_shape=jax.ShapeDtypeStruct((N_NODES, D), jnp.float32),
)


def kernel(in_feat, edge_index, W1, b1, W2, b2):
    e2 = edge_index.reshape(2 * NBT, B_EDGE)
    ones = jnp.ones((B_EDGE,), jnp.float32)
    z1 = jnp.zeros((RPW,), jnp.float32)
    z2 = jnp.zeros((ZR, D), jnp.float32)
    degp = _deg_kernel(e2, ones, z1)
    dsrc = degp[:, 0, :]
    ddst = degp[:, 1, :]
    b1r = b1.reshape(1, D)
    b2r = b2.reshape(1, D)
    y1 = _mm_scale(in_feat, W1, dsrc)
    p1 = _agg_kernel(y1, e2, z2)
    y2 = _comb_mm(p1, ddst, b1r, dsrc, W2)
    p2 = _agg_kernel(y2, e2, z2)
    return _final(p2, ddst, b2r)

# --- scband reference (transcript-rebuilt; emitter-appended) ---
"""Pipeline reference for scband-gcn-62079457296417 (READ-ONLY COPY).

The authoritative reference and input builder live on the scoring server;
editing this copy changes nothing except your own understanding.
"""

import jax, jax.numpy as jnp
import numpy as np

N = 10000
E = 320000
D_IN = 128
D_HID = 128
D_OUT = 128


def _glorot(key, shape):
    fan_in, fan_out = shape[0], shape[1]
    limit = float(np.sqrt(6.0 / (fan_in + fan_out)))
    return jax.random.uniform(key, shape, dtype=jnp.float32, minval=-limit, maxval=limit)


def setup_inputs(seed: int = 0) -> dict:
    key = jax.random.key(seed)
    k1, k2, k3, k4 = jax.random.split(key, 4)
    in_feat = jax.random.normal(k1, (N, D_IN), dtype=jnp.float32)
    edge_index = jax.random.randint(k2, (2, E), 0, N, dtype=jnp.int32)
    W1 = _glorot(k3, (D_IN, D_HID))
    b1 = jnp.zeros((D_HID,), dtype=jnp.float32)
    W2 = _glorot(k4, (D_HID, D_OUT))
    b2 = jnp.zeros((D_OUT,), dtype=jnp.float32)
    return {"in_feat": in_feat, "edge_index": edge_index, "W1": W1, "b1": b1, "W2": W2, "b2": b2}


def _gcn_layer(x, W, b, src, dst):
    # DGL GraphConv with norm='both': h = D_dst^{-1/2} A D_src^{-1/2} X W + b
    ones = jnp.ones((src.shape[0],), dtype=x.dtype)
    deg_out = jax.ops.segment_sum(ones, src, num_segments=N)
    deg_in = jax.ops.segment_sum(ones, dst, num_segments=N)
    norm_src = jax.lax.rsqrt(jnp.clip(deg_out, 1.0, None))
    norm_dst = jax.lax.rsqrt(jnp.clip(deg_in, 1.0, None))
    xw = x @ W
    msg = xw[src] * norm_src[src][:, None]
    agg = jax.ops.segment_sum(msg, dst, num_segments=N)
    return agg * norm_dst[:, None] + b


def reference(in_feat, edge_index, W1, b1, W2, b2):
    src = edge_index[0]
    dst = edge_index[1]
    h = jax.nn.relu(_gcn_layer(in_feat, W1, b1, src, dst))
    h = jax.nn.relu(_gcn_layer(h, W2, b2, src, dst))
    return jax.nn.softmax(h, axis=1)

if __name__ == "__main__":
    import jax
    _d = setup_inputs()
    print(jax.jit(kernel)(*tuple(_d.values())))

</pallas_src>

<mosaic_0001>
#map = affine_map<(d0, d1) -> (0, 0)>
#map1 = affine_map<(d0, d1) -> (0)>
#map2 = affine_map<(d0, d1) -> (0, 0, 0)>
module attributes {stable_mosaic.version = 14 : i64} {
  func.func @_deg_kernel(%arg0: i32, %arg1: i32, %arg2: memref<5000x128xi32, #tpu.memory_space<hbm>>, %arg3: memref<128xf32, #tpu.memory_space<hbm>>, %arg4: memref<640xf32, #tpu.memory_space<hbm>>, %arg5: memref<2x2x10240xf32, #tpu.memory_space<hbm>>, %arg6: memref<80xi32, #tpu.memory_space<vmem>>, %arg7: memref<80xi32, #tpu.memory_space<vmem>>, %arg8: memref<80x128xi32, #tpu.memory_space<vmem>>, %arg9: memref<80x128xi32, #tpu.memory_space<vmem>>, %arg10: memref<128xf32, #tpu.memory_space<vmem>>, %arg11: memref<10240xf32, #tpu.memory_space<vmem_shared>>, %arg12: memref<10240xf32, #tpu.memory_space<vmem_shared>>, %arg13: memref<!tpu.dma_semaphore, #tpu.memory_space<semaphore_mem>>, %arg14: memref<!tpu.dma_semaphore, #tpu.memory_space<semaphore_mem>>) attributes {dimension_semantics = [#tpu.dimension_semantics<core_parallel>, #tpu.dimension_semantics<subcore_parallel>], iteration_bounds = array<i64: 2, 16>, scalar_prefetch = 0 : i64, scratch_operands = 9 : i64, tpu.core_type = #tpu.core_type<sc_vector_subcore>, window_params = [{transform_indices = #map}, {transform_indices = #map1}, {transform_indices = #map1}, {transform_indices = #map2}]} {
    %mul3A = arith.constant 16 : i32
    %mul3A_0 = arith.muli %arg0, %mul3A : i32
    %add3A = arith.addi %mul3A_0, %arg1 : i32
    %lt3A = arith.constant 4 : i32
    %lt3A_1 = arith.cmpi slt, %add3A, %lt3A : i32
    %jit3A = arith.constant 1 : i32
    %jit3A_2 = arith.constant 0 : i32
    %select_n3A = arith.select %lt3A_1, %jit3A, %jit3A_2 : i32
    %add3A_3 = arith.constant 78 : i32
    %add3A_4 = arith.addi %add3A_3, %select_n3A : i32
    %mul3A_5 = arith.constant 78 : i32
    %mul3A_6 = arith.muli %add3A, %mul3A_5 : i32
    %min3A = arith.constant 4 : i32
    %min3A_7 = arith.minsi %add3A, %min3A : i32
    %add3A_8 = arith.addi %mul3A_6, %min3A_7 : i32
    %iota3A = tpu.iota {dimensions = array<i32: 0>} : vector<16xi32>
    %add3A_9 = arith.constant 0 : i32
    %add3A_10 = vector.broadcast %add3A_9 : i32 to vector<16xi32>
    %add3A_11 = arith.addi %iota3A, %add3A_10 : vector<16xi32>
    %sub3A = arith.constant 1 : i32
    %sub3A_12 = arith.subi %add3A_4, %sub3A : i32
    %min3A_13 = vector.broadcast %sub3A_12 : i32 to vector<16xi32>
    %min3A_14 = arith.minsi %add3A_11, %min3A_13 : vector<16xi32>
    %add3A_15 = vector.broadcast %add3A_8 : i32 to vector<16xi32>
    %add3A_16 = arith.addi %min3A_14, %add3A_15 : vector<16xi32>
    %swap3A = arith.constant 0 : index
    %swap3A_17 = tpu.vector_load %arg6[%swap3A] {strides = array<i32>} : memref<80xi32, #tpu.memory_space<vmem>>, vector<16xi32>,
    %swap3A_18 = vector.shape_cast %swap3A_17 : vector<16xi32> to vector<16xi32>
    %swap3A_19 = vector.shape_cast %add3A_16 : vector<16xi32> to vector<16xi32>
    tpu.vector_store %arg6[%swap3A], %swap3A_19 {strides = array<i32>} : memref<80xi32, #tpu.memory_space<vmem>>, vector<16xi32>,
    %iota3A_20 = tpu.iota {dimensions = array<i32: 0>} : vector<16xi32>
    %add3A_21 = arith.constant 16 : i32
    %add3A_22 = vector.broadcast %add3A_21 : i32 to vector<16xi32>
    %add3A_23 = arith.addi %iota3A_20, %add3A_22 : vector<16xi32>
    %sub3A_24 = arith.constant 1 : i32
    %sub3A_25 = arith.subi %add3A_4, %sub3A_24 : i32
    %min3A_26 = vector.broadcast %sub3A_25 : i32 to vector<16xi32>
    %min3A_27 = arith.minsi %add3A_23, %min3A_26 : vector<16xi32>
    %add3A_28 = vector.broadcast %add3A_8 : i32 to vector<16xi32>
    %add3A_29 = arith.addi %min3A_27, %add3A_28 : vector<16xi32>
    %swap3A_30 = arith.constant 16 : index
    %swap3A_31 = tpu.vector_load %arg6[%swap3A_30] {strides = array<i32>} : memref<80xi32, #tpu.memory_space<vmem>>, vector<16xi32>,
    %swap3A_32 = vector.shape_cast %swap3A_31 : vector<16xi32> to vector<16xi32>
    %swap3A_33 = vector.shape_cast %add3A_29 : vector<16xi32> to vector<16xi32>
    tpu.vector_store %arg6[%swap3A_30], %swap3A_33 {strides = array<i32>} : memref<80xi32, #tpu.memory_space<vmem>>, vector<16xi32>,
    %iota3A_34 = tpu.iota {dimensions = array<i32: 0>} : vector<16xi32>
    %add3A_35 = arith.constant 32 : i32
    %add3A_36 = vector.broadcast %add3A_35 : i32 to vector<16xi32>
    %add3A_37 = arith.addi %iota3A_34, %add3A_36 : vector<16xi32>
    %sub3A_38 = arith.constant 1 : i32
    %sub3A_39 = arith.subi %add3A_4, %sub3A_38 : i32
    %min3A_40 = vector.broadcast %sub3A_39 : i32 to vector<16xi32>
    %min3A_41 = arith.minsi %add3A_37, %min3A_40 : vector<16xi32>
    %add3A_42 = vector.broadcast %add3A_8 : i32 to vector<16xi32>
    %add3A_43 = arith.addi %min3A_41, %add3A_42 : vector<16xi32>
    %swap3A_44 = arith.constant 32 : index
    %swap3A_45 = tpu.vector_load %arg6[%swap3A_44] {strides = array<i32>} : memref<80xi32, #tpu.memory_space<vmem>>, vector<16xi32>,
    %swap3A_46 = vector.shape_cast %swap3A_45 : vector<16xi32> to vector<16xi32>
    %swap3A_47 = vector.shape_cast %add3A_43 : vector<16xi32> to vector<16xi32>
    tpu.vector_store %arg6[%swap3A_44], %swap3A_47 {strides = array<i32>} : memref<80xi32, #tpu.memory_space<vmem>>, vector<16xi32>,
    %iota3A_48 = tpu.iota {dimensions = array<i32: 0>} : vector<16xi32>
    %add3A_49 = arith.constant 48 : i32
    %add3A_50 = vector.broadcast %add3A_49 : i32 to vector<16xi32>
    %add3A_51 = arith.addi %iota3A_48, %add3A_50 : vector<16xi32>
    %sub3A_52 = arith.constant 1 : i32
    %sub3A_53 = arith.subi %add3A_4, %sub3A_52 : i32
    %min3A_54 = vector.broadcast %sub3A_53 : i32 to vector<16xi32>
    %min3A_55 = arith.minsi %add3A_51, %min3A_54 : vector<16xi32>
    %add3A_56 = vector.broadcast %add3A_8 : i32 to vector<16xi32>
    %add3A_57 = arith.addi %min3A_55, %add3A_56 : vector<16xi32>
    %swap3A_58 = arith.constant 48 : index
    %swap3A_59 = tpu.vector_load %arg6[%swap3A_58] {strides = array<i32>} : memref<80xi32, #tpu.memory_space<vmem>>, vector<16xi32>,
    %swap3A_60 = vector.shape_cast %swap3A_59 : vector<16xi32> to vector<16xi32>
    %swap3A_61 = vector.shape_cast %add3A_57 : vector<16xi32> to vector<16xi32>
    tpu.vector_store %arg6[%swap3A_58], %swap3A_61 {strides = array<i32>} : memref<80xi32, #tpu.memory_space<vmem>>, vector<16xi32>,
    %iota3A_62 = tpu.iota {dimensions = array<i32: 0>} : vector<16xi32>
    %add3A_63 = arith.constant 64 : i32
    %add3A_64 = vector.broadcast %add3A_63 : i32 to vector<16xi32>
    %add3A_65 = arith.addi %iota3A_62, %add3A_64 : vector<16xi32>
    %sub3A_66 = arith.constant 1 : i32
    %sub3A_67 = arith.subi %add3A_4, %sub3A_66 : i32
    %min3A_68 = vector.broadcast %sub3A_67 : i32 to vector<16xi32>
    %min3A_69 = arith.minsi %add3A_65, %min3A_68 : vector<16xi32>
    %add3A_70 = vector.broadcast %add3A_8 : i32 to vector<16xi32>
    %add3A_71 = arith.addi %min3A_69, %add3A_70 : vector<16xi32>
    %swap3A_72 = arith.constant 64 : index
    %swap3A_73 = tpu.vector_load %arg6[%swap3A_72] {strides = array<i32>} : memref<80xi32, #tpu.memory_space<vmem>>, vector<16xi32>,
    %swap3A_74 = vector.shape_cast %swap3A_73 : vector<16xi32> to vector<16xi32>
    %swap3A_75 = vector.shape_cast %add3A_71 : vector<16xi32> to vector<16xi32>
    tpu.vector_store %arg6[%swap3A_72], %swap3A_75 {strides = array<i32>} : memref<80xi32, #tpu.memory_space<vmem>>, vector<16xi32>,
    %add3A_76 = arith.constant 2500 : i32
    %add3A_77 = arith.addi %add3A_76, %add3A_8 : i32
    %iota3A_78 = tpu.iota {dimensions = array<i32: 0>} : vector<16xi32>
    %add3A_79 = arith.constant 0 : i32
    %add3A_80 = vector.broadcast %add3A_79 : i32 to vector<16xi32>
    %add3A_81 = arith.addi %iota3A_78, %add3A_80 : vector<16xi32>
    %sub3A_82 = arith.constant 1 : i32
    %sub3A_83 = arith.subi %add3A_4, %sub3A_82 : i32
    %min3A_84 = vector.broadcast %sub3A_83 : i32 to vector<16xi32>
    %min3A_85 = arith.minsi %add3A_81, %min3A_84 : vector<16xi32>
    %add3A_86 = vector.broadcast %add3A_77 : i32 to vector<16xi32>
    %add3A_87 = arith.addi %min3A_85, %add3A_86 : vector<16xi32>
    %swap3A_88 = arith.constant 0 : index
    %swap3A_89 = tpu.vector_load %arg7[%swap3A_88] {strides = array<i32>} : memref<80xi32, #tpu.memory_space<vmem>>, vector<16xi32>,
    %swap3A_90 = vector.shape_cast %swap3A_89 : vector<16xi32> to vector<16xi32>
    %swap3A_91 = vector.shape_cast %add3A_87 : vector<16xi32> to vector<16xi32>
    tpu.vector_store %arg7[%swap3A_88], %swap3A_91 {strides = array<i32>} : memref<80xi32, #tpu.memory_space<vmem>>, vector<16xi32>,
    %iota3A_92 = tpu.iota {dimensions = array<i32: 0>} : vector<16xi32>
    %add3A_93 = arith.constant 16 : i32
    %add3A_94 = vector.broadcast %add3A_93 : i32 to vector<16xi32>
    %add3A_95 = arith.addi %iota3A_92, %add3A_94 : vector<16xi32>
    %sub3A_96 = arith.constant 1 : i32
    %sub3A_97 = arith.subi %add3A_4, %sub3A_96 : i32
    %min3A_98 = vector.broadcast %sub3A_97 : i32 to vector<16xi32>
    %min3A_99 = arith.minsi %add3A_95, %min3A_98 : vector<16xi32>
    %add3A_100 = vector.broadcast %add3A_77 : i32 to vector<16xi32>
    %add3A_101 = arith.addi %min3A_99, %add3A_100 : vector<16xi32>
    %swap3A_102 = arith.constant 16 : index
    %swap3A_103 = tpu.vector_load %arg7[%swap3A_102] {strides = array<i32>} : memref<80xi32, #tpu.memory_space<vmem>>, vector<16xi32>,
    %swap3A_104 = vector.shape_cast %swap3A_103 : vector<16xi32> to vector<16xi32>
    %swap3A_105 = vector.shape_cast %add3A_101 : vector<16xi32> to vector<16xi32>
    tpu.vector_store %arg7[%swap3A_102], %swap3A_105 {strides = array<i32>} : memref<80xi32, #tpu.memory_space<vmem>>, vector<16xi32>,
    %iota3A_106 = tpu.iota {dimensions = array<i32: 0>} : vector<16xi32>
    %add3A_107 = arith.constant 32 : i32
    %add3A_108 = vector.broadcast %add3A_107 : i32 to vector<16xi32>
    %add3A_109 = arith.addi %iota3A_106, %add3A_108 : vector<16xi32>
    %sub3A_110 = arith.constant 1 : i32
    %sub3A_111 = arith.subi %add3A_4, %sub3A_110 : i32
    %min3A_112 = vector.broadcast %sub3A_111 : i32 to vector<16xi32>
    %min3A_113 = arith.minsi %add3A_109, %min3A_112 : vector<16xi32>
    %add3A_114 = vector.broadcast %add3A_77 : i32 to vector<16xi32>
    %add3A_115 = arith.addi %min3A_113, %add3A_114 : vector<16xi32>
    %swap3A_116 = arith.constant 32 : index
    %swap3A_117 = tpu.vector_load %arg7[%swap3A_116] {strides = array<i32>} : memref<80xi32, #tpu.memory_space<vmem>>, vector<16xi32>,
    %swap3A_118 = vector.shape_cast %swap3A_117 : vector<16xi32> to vector<16xi32>
    %swap3A_119 = vector.shape_cast %add3A_115 : vector<16xi32> to vector<16xi32>
    tpu.vector_store %arg7[%swap3A_116], %swap3A_119 {strides = array<i32>} : memref<80xi32, #tpu.memory_space<vmem>>, vector<16xi32>,
    %iota3A_120 = tpu.iota {dimensions = array<i32: 0>} : vector<16xi32>
    %add3A_121 = arith.constant 48 : i32
    %add3A_122 = vector.broadcast %add3A_121 : i32 to vector<16xi32>
    %add3A_123 = arith.addi %iota3A_120, %add3A_122 : vector<16xi32>
    %sub3A_124 = arith.constant 1 : i32
    %sub3A_125 = arith.subi %add3A_4, %sub3A_124 : i32
    %min3A_126 = vector.broadcast %sub3A_125 : i32 to vector<16xi32>
    %min3A_127 = arith.minsi %add3A_123, %min3A_126 : vector<16xi32>
    %add3A_128 = vector.broadcast %add3A_77 : i32 to vector<16xi32>
    %add3A_129 = arith.addi %min3A_127, %add3A_128 : vector<16xi32>
    %swap3A_130 = arith.constant 48 : index
    %swap3A_131 = tpu.vector_load %arg7[%swap3A_130] {strides = array<i32>} : memref<80xi32, #tpu.memory_space<vmem>>, vector<16xi32>,
    %swap3A_132 = vector.shape_cast %swap3A_131 : vector<16xi32> to vector<16xi32>
    %swap3A_133 = vector.shape_cast %add3A_129 : vector<16xi32> to vector<16xi32>
    tpu.vector_store %arg7[%swap3A_130], %swap3A_133 {strides = array<i32>} : memref<80xi32, #tpu.memory_space<vmem>>, vector<16xi32>,
    %iota3A_134 = tpu.iota {dimensions = array<i32: 0>} : vector<16xi32>
    %add3A_135 = arith.constant 64 : i32
    %add3A_136 = vector.broadcast %add3A_135 : i32 to vector<16xi32>
    %add3A_137 = arith.addi %iota3A_134, %add3A_136 : vector<16xi32>
    %sub3A_138 = arith.constant 1 : i32
    %sub3A_139 = arith.subi %add3A_4, %sub3A_138 : i32
    %min3A_140 = vector.broadcast %sub3A_139 : i32 to vector<16xi32>
    %min3A_141 = arith.minsi %add3A_137, %min3A_140 : vector<16xi32>
    %add3A_142 = vector.broadcast %add3A_77 : i32 to vector<16xi32>
    %add3A_143 = arith.addi %min3A_141, %add3A_142 : vector<16xi32>
    %swap3A_144 = arith.constant 64 : index
    %swap3A_145 = tpu.vector_load %arg7[%swap3A_144] {strides = array<i32>} : memref<80xi32, #tpu.memory_space<vmem>>, vector<16xi32>,
    %swap3A_146 = vector.shape_cast %swap3A_145 : vector<16xi32> to vector<16xi32>
    %swap3A_147 = vector.shape_cast %add3A_143 : vector<16xi32> to vector<16xi32>
    tpu.vector_store %arg7[%swap3A_144], %swap3A_147 {strides = array<i32>} : memref<80xi32, #tpu.memory_space<vmem>>, vector<16xi32>,
    %dma_start3A = arith.constant 0 : i32
    %dma_start3A_148 = arith.constant 0 : i32
    %dma_start3A_149 = tpu.memref_slice %arg2[%dma_start3A, %dma_start3A_148] : memref<5000x128xi32, #tpu.memory_space<hbm>> -> memref<5000x128xi32, #tpu.memory_space<hbm>>
    tpu.enqueue_indirect_dma source(%dma_start3A_149 : memref<5000x128xi32, #tpu.memory_space<hbm>>) target(%arg8 : memref<80x128xi32, #tpu.memory_space<vmem>>) offsets(%arg6 : memref<80xi32, #tpu.memory_space<vmem>>) semaphore(%arg13 : memref<!tpu.dma_semaphore, #tpu.memory_space<semaphore_mem>>)
    %dma_start3A_150 = arith.constant 0 : i32
    %dma_start3A_151 = arith.constant 0 : i32
    %dma_start3A_152 = tpu.memref_slice %arg2[%dma_start3A_150, %dma_start3A_151] : memref<5000x128xi32, #tpu.memory_space<hbm>> -> memref<5000x128xi32, #tpu.memory_space<hbm>>
    tpu.enqueue_indirect_dma source(%dma_start3A_152 : memref<5000x128xi32, #tpu.memory_space<hbm>>) target(%arg9 : memref<80x128xi32, #tpu.memory_space<vmem>>) offsets(%arg7 : memref<80xi32, #tpu.memory_space<vmem>>) semaphore(%arg14 : memref<!tpu.dma_semaphore, #tpu.memory_space<semaphore_mem>>)
    %mul3A_153 = arith.constant 640 : i32
    %mul3A_154 = arith.muli %arg1, %mul3A_153 : i32
    "tpu.region"() ({
      %run_scoped3A_193 = tpu.sem_alloc : memref<!tpu.dma_semaphore, #tpu.memory_space<semaphore_mem>>
      %dma_start3A_194 = tpu.memref_slice %arg11[%mul3A_154] : memref<10240xf32, #tpu.memory_space<vmem_shared>> -> memref<640xf32, #tpu.memory_space<vmem_shared>>
      tpu.enqueue_dma source(%arg4 : memref<640xf32, #tpu.memory_space<hbm>>) target(%dma_start3A_194 : memref<640xf32, #tpu.memory_space<vmem_shared>>) target_semaphore(%run_scoped3A_193 : memref<!tpu.dma_semaphore, #tpu.memory_space<semaphore_mem>>)
      %dma_wait3A_195 = tpu.memref_slice %arg11[%mul3A_154] : memref<10240xf32, #tpu.memory_space<vmem_shared>> -> memref<640xf32, #tpu.memory_space<vmem_shared>>
      tpu.wait_dma2 semaphore(%run_scoped3A_193 : memref<!tpu.dma_semaphore, #tpu.memory_space<semaphore_mem>>) src(%arg4 : memref<640xf32, #tpu.memory_space<hbm>>) dst(%dma_wait3A_195 : memref<640xf32, #tpu.memory_space<vmem_shared>>)
      tpu.yield
    }) : () -> ()
    %mul3A_155 = arith.constant 640 : i32
    %mul3A_156 = arith.muli %arg1, %mul3A_155 : i32
    "tpu.region"() ({
      %run_scoped3A_193 = tpu.sem_alloc : memref<!tpu.dma_semaphore, #tpu.memory_space<semaphore_mem>>
      %dma_start3A_194 = tpu.memref_slice %arg12[%mul3A_156] : memref<10240xf32, #tpu.memory_space<vmem_shared>> -> memref<640xf32, #tpu.memory_space<vmem_shared>>
      tpu.enqueue_dma source(%arg4 : memref<640xf32, #tpu.memory_space<hbm>>) target(%dma_start3A_194 : memref<640xf32, #tpu.memory_space<vmem_shared>>) target_semaphore(%run_scoped3A_193 : memref<!tpu.dma_semaphore, #tpu.memory_space<semaphore_mem>>)
      %dma_wait3A_195 = tpu.memref_slice %arg12[%mul3A_156] : memref<10240xf32, #tpu.memory_space<vmem_shared>> -> memref<640xf32, #tpu.memory_space<vmem_shared>>
      tpu.wait_dma2 semaphore(%run_scoped3A_193 : memref<!tpu.dma_semaphore, #tpu.memory_space<semaphore_mem>>) src(%arg4 : memref<640xf32, #tpu.memory_space<hbm>>) dst(%dma_wait3A_195 : memref<640xf32, #tpu.memory_space<vmem_shared>>)
      tpu.yield
    }) : () -> ()
    "tpu.region"() ({
      %run_scoped3A_193 = tpu.sem_alloc : memref<!tpu.dma_semaphore, #tpu.memory_space<semaphore_mem>>
      tpu.enqueue_dma source(%arg3 : memref<128xf32, #tpu.memory_space<hbm>>) target(%arg10 : memref<128xf32, #tpu.memory_space<vmem>>) target_semaphore(%run_scoped3A_193 : memref<!tpu.dma_semaphore, #tpu.memory_space<semaphore_mem>>)
      tpu.wait_dma2 semaphore(%run_scoped3A_193 : memref<!tpu.dma_semaphore, #tpu.memory_space<semaphore_mem>>) src(%arg3 : memref<128xf32, #tpu.memory_space<hbm>>) dst(%arg10 : memref<128xf32, #tpu.memory_space<vmem>>)
      tpu.yield
    }) : () -> ()
    %dma_wait3A = arith.constant 0 : i32
    %dma_wait3A_157 = arith.constant 0 : i32
    %dma_wait3A_158 = tpu.memref_slice %arg2[%dma_wait3A, %dma_wait3A_157] : memref<5000x128xi32, #tpu.memory_space<hbm>> -> memref<5000x128xi32, #tpu.memory_space<hbm>>
    tpu.wait_indirect_dma semaphore(%arg13 : memref<!tpu.dma_semaphore, #tpu.memory_space<semaphore_mem>>) src(%dma_wait3A_158 : memref<5000x128xi32, #tpu.memory_space<hbm>>) dst(%arg8 : memref<80x128xi32, #tpu.memory_space<vmem>>)
    %dma_wait3A_159 = arith.constant 0 : i32
    %dma_wait3A_160 = arith.constant 0 : i32
    %dma_wait3A_161 = tpu.memref_slice %arg2[%dma_wait3A_159, %dma_wait3A_160] : memref<5000x128xi32, #tpu.memory_space<hbm>> -> memref<5000x128xi32, #tpu.memory_space<hbm>>
    tpu.wait_indirect_dma semaphore(%arg14 : memref<!tpu.dma_semaphore, #tpu.memory_space<semaphore_mem>>) src(%dma_wait3A_161 : memref<5000x128xi32, #tpu.memory_space<hbm>>) dst(%arg9 : memref<80x128xi32, #tpu.memory_space<vmem>>)
    %barrier3A = arith.constant 0 : index
    tpu.barrier barrier_id(%barrier3A)
    %dma_start3A_162 = arith.constant 0 : i32
    %dma_start3A_163 = arith.constant 0 : i32
    %dma_start3A_164 = tpu.memref_slice %arg8[%dma_start3A_162, %dma_start3A_163] : memref<80x128xi32, #tpu.memory_space<vmem>> -> memref<1x128xi32, #tpu.memory_space<vmem>>
    %dma_start3A_165 = tpu.memref_squeeze %dma_start3A_164 : memref<1x128xi32, #tpu.memory_space<vmem>> -> memref<128xi32, #tpu.memory_space<vmem>>
    %dma_start3A_166 = arith.constant 0 : i32
    %dma_start3A_167 = tpu.memref_slice %arg11[%dma_start3A_166] : memref<10240xf32, #tpu.memory_space<vmem_shared>> -> memref<10240xf32, #tpu.memory_space<vmem_shared>>
    tpu.enqueue_indirect_dma source(%arg10 : memref<128xf32, #tpu.memory_space<vmem>>) target(%dma_start3A_167 : memref<10240xf32, #tpu.memory_space<vmem_shared>>) offsets(%dma_start3A_165 : memref<128xi32, #tpu.memory_space<vmem>>) semaphore(%arg13 : memref<!tpu.dma_semaphore, #tpu.memory_space<semaphore_mem>>) {add = true}
    %dma_start3A_168 = arith.constant 0 : i32
    %dma_start3A_169 = arith.constant 0 : i32
    %dma_start3A_170 = tpu.memref_slice %arg9[%dma_start3A_168, %dma_start3A_169] : memref<80x128xi32, #tpu.memory_space<vmem>> -> memref<1x128xi32, #tpu.memory_space<vmem>>
    %dma_start3A_171 = tpu.memref_squeeze %dma_start3A_170 : memref<1x128xi32, #tpu.memory_space<vmem>> -> memref<128xi32, #tpu.memory_space<vmem>>
    %dma_start3A_172 = arith.constant 0 : i32
    %dma_start3A_173 = tpu.memref_slice %arg12[%dma_start3A_172] : memref<10240xf32, #tpu.memory_space<vmem_shared>> -> memref<10240xf32, #tpu.memory_space<vmem_shared>>
    tpu.enqueue_indirect_dma source(%arg10 : memref<128xf32, #tpu.memory_space<vmem>>) target(%dma_start3A_173 : memref<10240xf32, #tpu.memory_space<vmem_shared>>) offsets(%dma_start3A_171 : memref<128xi32, #tpu.memory_space<vmem>>) semaphore(%arg14 : memref<!tpu.dma_semaphore, #tpu.memory_space<semaphore_mem>>) {add = true}
    %while3A = arith.constant 0 : i32
    %while3A_174 = arith.constant 1 : i32
    %while3A_175 = arith.subi %add3A_4, %while3A_174 : i32
    %while3A_176 = arith.addi %while3A_174, %while3A_175 : i32
    %while3A_177 = arith.constant 1 : i32
    %while3A_178 = arith.divsi %while3A_175, %while3A_177 : i32
    %while3A_179 = arith.muli %while3A_178, %while3A_177 : i32
    %while3A_180 = arith.addi %while3A_174, %while3A_179 : i32
    %while3A_181 = arith.constant 1 : i32
    scf.for %while3A_193 = %while3A_174 to %while3A_180 step %while3A_181  : i32 {
      %dma_start3A_194 = arith.constant 0 : i32
      %dma_start3A_195 = tpu.memref_slice %arg8[%while3A_193, %dma_start3A_194] : memref<80x128xi32, #tpu.memory_space<vmem>> -> memref<1x128xi32, #tpu.memory_space<vmem>>
      %dma_start3A_196 = tpu.memref_squeeze %dma_start3A_195 : memref<1x128xi32, #tpu.memory_space<vmem>> -> memref<128xi32, #tpu.memory_space<vmem>>
      %dma_start3A_197 = arith.constant 0 : i32
      %dma_start3A_198 = tpu.memref_slice %arg11[%dma_start3A_197] : memref<10240xf32, #tpu.memory_space<vmem_shared>> -> memref<10240xf32, #tpu.memory_space<vmem_shared>>
      tpu.enqueue_indirect_dma source(%arg10 : memref<128xf32, #tpu.memory_space<vmem>>) target(%dma_start3A_198 : memref<10240xf32, #tpu.memory_space<vmem_shared>>) offsets(%dma_start3A_196 : memref<128xi32, #tpu.memory_space<vmem>>) semaphore(%arg13 : memref<!tpu.dma_semaphore, #tpu.memory_space<semaphore_mem>>) {add = true}
      %dma_start3A_199 = arith.constant 0 : i32
      %dma_start3A_200 = tpu.memref_slice %arg9[%while3A_193, %dma_start3A_199] : memref<80x128xi32, #tpu.memory_space<vmem>> -> memref<1x128xi32, #tpu.memory_space<vmem>>
      %dma_start3A_201 = tpu.memref_squeeze %dma_start3A_200 : memref<1x128xi32, #tpu.memory_space<vmem>> -> memref<128xi32, #tpu.memory_space<vmem>>
      %dma_start3A_202 = arith.constant 0 : i32
      %dma_start3A_203 = tpu.memref_slice %arg12[%dma_start3A_202] : memref<10240xf32, #tpu.memory_space<vmem_shared>> -> memref<10240xf32, #tpu.memory_space<vmem_shared>>
      tpu.enqueue_indirect_dma source(%arg10 : memref<128xf32, #tpu.memory_space<vmem>>) target(%dma_start3A_203 : memref<10240xf32, #tpu.memory_space<vmem_shared>>) offsets(%dma_start3A_201 : memref<128xi32, #tpu.memory_space<vmem>>) semaphore(%arg14 : memref<!tpu.dma_semaphore, #tpu.memory_space<semaphore_mem>>) {add = true}
      tpu.wait_dma2 semaphore(%arg13 : memref<!tpu.dma_semaphore, #tpu.memory_space<semaphore_mem>>) src(%arg3 : memref<128xf32, #tpu.memory_space<hbm>>) dst(%arg10 : memref<128xf32, #tpu.memory_space<vmem>>)
      tpu.wait_dma2 semaphore(%arg14 : memref<!tpu.dma_semaphore, #tpu.memory_space<semaphore_mem>>) src(%arg3 : memref<128xf32, #tpu.memory_space<hbm>>) dst(%arg10 : memref<128xf32, #tpu.memory_space<vmem>>)
    }
    %while3A_182 = arith.constant 1 : i32
    scf.for %while3A_193 = %while3A_180 to %while3A_176 step %while3A_182  : i32 {
      %dma_start3A_194 = arith.constant 0 : i32
      %dma_start3A_195 = tpu.memref_slice %arg8[%while3A_193, %dma_start3A_194] : memref<80x128xi32, #tpu.memory_space<vmem>> -> memref<1x128xi32, #tpu.memory_space<vmem>>
      %dma_start3A_196 = tpu.memref_squeeze %dma_start3A_195 : memref<1x128xi32, #tpu.memory_space<vmem>> -> memref<128xi32, #tpu.memory_space<vmem>>
      %dma_start3A_197 = arith.constant 0 : i32
      %dma_start3A_198 = tpu.memref_slice %arg11[%dma_start3A_197] : memref<10240xf32, #tpu.memory_space<vmem_shared>> -> memref<10240xf32, #tpu.memory_space<vmem_shared>>
      tpu.enqueue_indirect_dma source(%arg10 : memref<128xf32, #tpu.memory_space<vmem>>) target(%dma_start3A_198 : memref<10240xf32, #tpu.memory_space<vmem_shared>>) offsets(%dma_start3A_196 : memref<128xi32, #tpu.memory_space<vmem>>) semaphore(%arg13 : memref<!tpu.dma_semaphore, #tpu.memory_space<semaphore_mem>>) {add = true}
      %dma_start3A_199 = arith.constant 0 : i32
      %dma_start3A_200 = tpu.memref_slice %arg9[%while3A_193, %dma_start3A_199] : memref<80x128xi32, #tpu.memory_space<vmem>> -> memref<1x128xi32, #tpu.memory_space<vmem>>
      %dma_start3A_201 = tpu.memref_squeeze %dma_start3A_200 : memref<1x128xi32, #tpu.memory_space<vmem>> -> memref<128xi32, #tpu.memory_space<vmem>>
      %dma_start3A_202 = arith.constant 0 : i32
      %dma_start3A_203 = tpu.memref_slice %arg12[%dma_start3A_202] : memref<10240xf32, #tpu.memory_space<vmem_shared>> -> memref<10240xf32, #tpu.memory_space<vmem_shared>>
      tpu.enqueue_indirect_dma source(%arg10 : memref<128xf32, #tpu.memory_space<vmem>>) target(%dma_start3A_203 : memref<10240xf32, #tpu.memory_space<vmem_shared>>) offsets(%dma_start3A_201 : memref<128xi32, #tpu.memory_space<vmem>>) semaphore(%arg14 : memref<!tpu.dma_semaphore, #tpu.memory_space<semaphore_mem>>) {add = true}
      tpu.wait_dma2 semaphore(%arg13 : memref<!tpu.dma_semaphore, #tpu.memory_space<semaphore_mem>>) src(%arg3 : memref<128xf32, #tpu.memory_space<hbm>>) dst(%arg10 : memref<128xf32, #tpu.memory_space<vmem>>)
      tpu.wait_dma2 semaphore(%arg14 : memref<!tpu.dma_semaphore, #tpu.memory_space<semaphore_mem>>) src(%arg3 : memref<128xf32, #tpu.memory_space<hbm>>) dst(%arg10 : memref<128xf32, #tpu.memory_space<vmem>>)
    }
    tpu.wait_dma2 semaphore(%arg13 : memref<!tpu.dma_semaphore, #tpu.memory_space<semaphore_mem>>) src(%arg3 : memref<128xf32, #tpu.memory_space<hbm>>) dst(%arg10 : memref<128xf32, #tpu.memory_space<vmem>>)
    tpu.wait_dma2 semaphore(%arg14 : memref<!tpu.dma_semaphore, #tpu.memory_space<semaphore_mem>>) src(%arg3 : memref<128xf32, #tpu.memory_space<hbm>>) dst(%arg10 : memref<128xf32, #tpu.memory_space<vmem>>)
    %barrier3A_183 = arith.constant 0 : index
    tpu.barrier barrier_id(%barrier3A_183)
    %mul3A_184 = arith.constant 640 : i32
    %mul3A_185 = arith.muli %arg1, %mul3A_184 : i32
    %mul3A_186 = arith.constant 640 : i32
    %mul3A_187 = arith.muli %arg1, %mul3A_186 : i32
    %run_scoped3A = arith.constant 0 : i32
    "tpu.region"() ({
      %run_scoped3A_193 = tpu.sem_alloc : memref<!tpu.dma_semaphore, #tpu.memory_space<semaphore_mem>>
      %dma_start3A_194 = tpu.memref_slice %arg5[%arg0, %run_scoped3A, %mul3A_187] : memref<2x2x10240xf32, #tpu.memory_space<hbm>> -> memref<1x1x640xf32, #tpu.memory_space<hbm>>
      %dma_start3A_195 = tpu.memref_squeeze %dma_start3A_194 : memref<1x1x640xf32, #tpu.memory_space<hbm>> -> memref<640xf32, #tpu.memory_space<hbm>>
      %dma_start3A_196 = tpu.memref_slice %arg11[%mul3A_185] : memref<10240xf32, #tpu.memory_space<vmem_shared>> -> memref<640xf32, #tpu.memory_space<vmem_shared>>
      tpu.enqueue_dma source(%dma_start3A_196 : memref<640xf32, #tpu.memory_space<vmem_shared>>) target(%dma_start3A_195 : memref<640xf32, #tpu.memory_space<hbm>>) target_semaphore(%run_scoped3A_193 : memref<!tpu.dma_semaphore, #tpu.memory_space<semaphore_mem>>)
      %dma_wait3A_197 = tpu.memref_slice %arg5[%arg0, %run_scoped3A, %mul3A_187] : memref<2x2x10240xf32, #tpu.memory_space<hbm>> -> memref<1x1x640xf32, #tpu.memory_space<hbm>>
      %dma_wait3A_198 = tpu.memref_squeeze %dma_wait3A_197 : memref<1x1x640xf32, #tpu.memory_space<hbm>> -> memref<640xf32, #tpu.memory_space<hbm>>
      %dma_wait3A_199 = tpu.memref_slice %arg11[%mul3A_185] : memref<10240xf32, #tpu.memory_space<vmem_shared>> -> memref<640xf32, #tpu.memory_space<vmem_shared>>
      tpu.wait_dma2 semaphore(%run_scoped3A_193 : memref<!tpu.dma_semaphore, #tpu.memory_space<semaphore_mem>>) src(%dma_wait3A_199 : memref<640xf32, #tpu.memory_space<vmem_shared>>) dst(%dma_wait3A_198 : memref<640xf32, #tpu.memory_space<hbm>>)
      tpu.yield
    }) : () -> ()
    %mul3A_188 = arith.constant 640 : i32
    %mul3A_189 = arith.muli %arg1, %mul3A_188 : i32
    %mul3A_190 = arith.constant 640 : i32
    %mul3A_191 = arith.muli %arg1, %mul3A_190 : i32
    %run_scoped3A_192 = arith.constant 1 : i32
    "tpu.region"() ({
      %run_scoped3A_193 = tpu.sem_alloc : memref<!tpu.dma_semaphore, #tpu.memory_space<semaphore_mem>>
      %dma_start3A_194 = tpu.memref_slice %arg5[%arg0, %run_scoped3A_192, %mul3A_191] : memref<2x2x10240xf32, #tpu.memory_space<hbm>> -> memref<1x1x640xf32, #tpu.memory_space<hbm>>
      %dma_start3A_195 = tpu.memref_squeeze %dma_start3A_194 : memref<1x1x640xf32, #tpu.memory_space<hbm>> -> memref<640xf32, #tpu.memory_space<hbm>>
      %dma_start3A_196 = tpu.memref_slice %arg12[%mul3A_189] : memref<10240xf32, #tpu.memory_space<vmem_shared>> -> memref<640xf32, #tpu.memory_space<vmem_shared>>
      tpu.enqueue_dma source(%dma_start3A_196 : memref<640xf32, #tpu.memory_space<vmem_shared>>) target(%dma_start3A_195 : memref<640xf32, #tpu.memory_space<hbm>>) target_semaphore(%run_scoped3A_193 : memref<!tpu.dma_semaphore, #tpu.memory_space<semaphore_mem>>)
      %dma_wait3A_197 = tpu.memref_slice %arg5[%arg0, %run_scoped3A_192, %mul3A_191] : memref<2x2x10240xf32, #tpu.memory_space<hbm>> -> memref<1x1x640xf32, #tpu.memory_space<hbm>>
      %dma_wait3A_198 = tpu.memref_squeeze %dma_wait3A_197 : memref<1x1x640xf32, #tpu.memory_space<hbm>> -> memref<640xf32, #tpu.memory_space<hbm>>
      %dma_wait3A_199 = tpu.memref_slice %arg12[%mul3A_189] : memref<10240xf32, #tpu.memory_space<vmem_shared>> -> memref<640xf32, #tpu.memory_space<vmem_shared>>
      tpu.wait_dma2 semaphore(%run_scoped3A_193 : memref<!tpu.dma_semaphore, #tpu.memory_space<semaphore_mem>>) src(%dma_wait3A_199 : memref<640xf32, #tpu.memory_space<vmem_shared>>) dst(%dma_wait3A_198 : memref<640xf32, #tpu.memory_space<hbm>>)
      tpu.yield
    }) : () -> ()
    return
  }
}

#map = affine_map<(d0, d1) -> (0, 0)>
#map1 = affine_map<(d0, d1) -> (0, 0, 0)>
module attributes {stable_mosaic.version = 14 : i64} {
  func.func @_agg_kernel(%arg0: i32, %arg1: i32, %arg2: memref<10240x128xf32, #tpu.memory_space<hbm>>, %arg3: memref<5000x128xi32, #tpu.memory_space<hbm>>, %arg4: memref<128x128xf32, #tpu.memory_space<hbm>>, %arg5: memref<2x10112x128xf32, #tpu.memory_space<hbm>>, %arg6: memref<80xi32, #tpu.memory_space<vmem>>, %arg7: memref<80x128xi32, #tpu.memory_space<vmem>>, %arg8: memref<128xi32, #tpu.memory_space<vmem>>, %arg9: memref<128xi32, #tpu.memory_space<vmem>>, %arg10: memref<128x128xf32, #tpu.memory_space<vmem>>, %arg11: memref<128x128xf32, #tpu.memory_space<vmem>>, %arg12: memref<10112x128xf32, #tpu.memory_space<vmem_shared>>, %arg13: memref<!tpu.dma_semaphore, #tpu.memory_space<semaphore_mem>>, %arg14: memref<!tpu.dma_semaphore, #tpu.memory_space<semaphore_mem>>, %arg15: memref<!tpu.dma_semaphore, #tpu.memory_space<semaphore_mem>>, %arg16: memref<!tpu.dma_semaphore, #tpu.memory_space<semaphore_mem>>, %arg17: memref<!tpu.dma_semaphore, #tpu.memory_space<semaphore_mem>>) attributes {dimension_semantics = [#tpu.dimension_semantics<core_parallel>, #tpu.dimension_semantics<subcore_parallel>], iteration_bounds = array<i64: 2, 16>, scalar_prefetch = 0 : i64, scratch_operands = 12 : i64, tpu.core_type = #tpu.core_type<sc_vector_subcore>, window_params = [{transform_indices = #map}, {transform_indices = #map}, {transform_indices = #map}, {transform_indices = #map1}]} {
    %mul3A = arith.constant 16 : i32
    %mul3A_0 = arith.muli %arg0, %mul3A : i32
    %add3A = arith.addi %mul3A_0, %arg1 : i32
    %lt3A = arith.constant 4 : i32
    %lt3A_1 = arith.cmpi slt, %add3A, %lt3A : i32
    %jit3A = arith.constant 1 : i32
    %jit3A_2 = arith.constant 0 : i32
    %select_n3A = arith.select %lt3A_1, %jit3A, %jit3A_2 : i32
    %add3A_3 = arith.constant 78 : i32
    %add3A_4 = arith.addi %add3A_3, %select_n3A : i32
    %mul3A_5 = arith.constant 78 : i32
    %mul3A_6 = arith.muli %add3A, %mul3A_5 : i32
    %min3A = arith.constant 4 : i32
    %min3A_7 = arith.minsi %add3A, %min3A : i32
    %add3A_8 = arith.addi %mul3A_6, %min3A_7 : i32
    %add3A_9 = arith.constant 2500 : i32
    %add3A_10 = arith.addi %add3A_9, %add3A_8 : i32
    %iota3A = tpu.iota {dimensions = array<i32: 0>} : vector<16xi32>
    %add3A_11 = arith.constant 0 : i32
    %add3A_12 = vector.broadcast %add3A_11 : i32 to vector<16xi32>
    %add3A_13 = arith.addi %iota3A, %add3A_12 : vector<16xi32>
    %sub3A = arith.constant 1 : i32
    %sub3A_14 = arith.subi %add3A_4, %sub3A : i32
    %min3A_15 = vector.broadcast %sub3A_14 : i32 to vector<16xi32>
    %min3A_16 = arith.minsi %add3A_13, %min3A_15 : vector<16xi32>
    %add3A_17 = vector.broadcast %add3A_8 : i32 to vector<16xi32>
    %add3A_18 = arith.addi %min3A_16, %add3A_17 : vector<16xi32>
    %swap3A = arith.constant 0 : index
    %swap3A_19 = tpu.vector_load %arg6[%swap3A] {strides = array<i32>} : memref<80xi32, #tpu.memory_space<vmem>>, vector<16xi32>,
    %swap3A_20 = vector.shape_cast %swap3A_19 : vector<16xi32> to vector<16xi32>
    %swap3A_21 = vector.shape_cast %add3A_18 : vector<16xi32> to vector<16xi32>
    tpu.vector_store %arg6[%swap3A], %swap3A_21 {strides = array<i32>} : memref<80xi32, #tpu.memory_space<vmem>>, vector<16xi32>,
    %iota3A_22 = tpu.iota {dimensions = array<i32: 0>} : vector<16xi32>
    %add3A_23 = arith.constant 16 : i32
    %add3A_24 = vector.broadcast %add3A_23 : i32 to vector<16xi32>
    %add3A_25 = arith.addi %iota3A_22, %add3A_24 : vector<16xi32>
    %sub3A_26 = arith.constant 1 : i32
    %sub3A_27 = arith.subi %add3A_4, %sub3A_26 : i32
    %min3A_28 = vector.broadcast %sub3A_27 : i32 to vector<16xi32>
    %min3A_29 = arith.minsi %add3A_25, %min3A_28 : vector<16xi32>
    %add3A_30 = vector.broadcast %add3A_8 : i32 to vector<16xi32>
    %add3A_31 = arith.addi %min3A_29, %add3A_30 : vector<16xi32>
    %swap3A_32 = arith.constant 16 : index
    %swap3A_33 = tpu.vector_load %arg6[%swap3A_32] {strides = array<i32>} : memref<80xi32, #tpu.memory_space<vmem>>, vector<16xi32>,
    %swap3A_34 = vector.shape_cast %swap3A_33 : vector<16xi32> to vector<16xi32>
    %swap3A_35 = vector.shape_cast %add3A_31 : vector<16xi32> to vector<16xi32>
    tpu.vector_store %arg6[%swap3A_32], %swap3A_35 {strides = array<i32>} : memref<80xi32, #tpu.memory_space<vmem>>, vector<16xi32>,
    %iota3A_36 = tpu.iota {dimensions = array<i32: 0>} : vector<16xi32>
    %add3A_37 = arith.constant 32 : i32
    %add3A_38 = vector.broadcast %add3A_37 : i32 to vector<16xi32>
    %add3A_39 = arith.addi %iota3A_36, %add3A_38 : vector<16xi32>
    %sub3A_40 = arith.constant 1 : i32
    %sub3A_41 = arith.subi %add3A_4, %sub3A_40 : i32
    %min3A_42 = vector.broadcast %sub3A_41 : i32 to vector<16xi32>
    %min3A_43 = arith.minsi %add3A_39, %min3A_42 : vector<16xi32>
    %add3A_44 = vector.broadcast %add3A_8 : i32 to vector<16xi32>
    %add3A_45 = arith.addi %min3A_43, %add3A_44 : vector<16xi32>
    %swap3A_46 = arith.constant 32 : index
    %swap3A_47 = tpu.vector_load %arg6[%swap3A_46] {strides = array<i32>} : memref<80xi32, #tpu.memory_space<vmem>>, vector<16xi32>,
    %swap3A_48 = vector.shape_cast %swap3A_47 : vector<16xi32> to vector<16xi32>
    %swap3A_49 = vector.shape_cast %add3A_45 : vector<16xi32> to vector<16xi32>
    tpu.vector_store %arg6[%swap3A_46], %swap3A_49 {strides = array<i32>} : memref<80xi32, #tpu.memory_space<vmem>>, vector<16xi32>,
    %iota3A_50 = tpu.iota {dimensions = array<i32: 0>} : vector<16xi32>
    %add3A_51 = arith.constant 48 : i32
    %add3A_52 = vector.broadcast %add3A_51 : i32 to vector<16xi32>
    %add3A_53 = arith.addi %iota3A_50, %add3A_52 : vector<16xi32>
    %sub3A_54 = arith.constant 1 : i32
    %sub3A_55 = arith.subi %add3A_4, %sub3A_54 : i32
    %min3A_56 = vector.broadcast %sub3A_55 : i32 to vector<16xi32>
    %min3A_57 = arith.minsi %add3A_53, %min3A_56 : vector<16xi32>
    %add3A_58 = vector.broadcast %add3A_8 : i32 to vector<16xi32>
    %add3A_59 = arith.addi %min3A_57, %add3A_58 : vector<16xi32>
    %swap3A_60 = arith.constant 48 : index
    %swap3A_61 = tpu.vector_load %arg6[%swap3A_60] {strides = array<i32>} : memref<80xi32, #tpu.memory_space<vmem>>, vector<16xi32>,
    %swap3A_62 = vector.shape_cast %swap3A_61 : vector<16xi32> to vector<16xi32>
    %swap3A_63 = vector.shape_cast %add3A_59 : vector<16xi32> to vector<16xi32>
    tpu.vector_store %arg6[%swap3A_60], %swap3A_63 {strides = array<i32>} : memref<80xi32, #tpu.memory_space<vmem>>, vector<16xi32>,
    %iota3A_64 = tpu.iota {dimensions = array<i32: 0>} : vector<16xi32>
    %add3A_65 = arith.constant 64 : i32
    %add3A_66 = vector.broadcast %add3A_65 : i32 to vector<16xi32>
    %add3A_67 = arith.addi %iota3A_64, %add3A_66 : vector<16xi32>
    %sub3A_68 = arith.constant 1 : i32
    %sub3A_69 = arith.subi %add3A_4, %sub3A_68 : i32
    %min3A_70 = vector.broadcast %sub3A_69 : i32 to vector<16xi32>
    %min3A_71 = arith.minsi %add3A_67, %min3A_70 : vector<16xi32>
    %add3A_72 = vector.broadcast %add3A_8 : i32 to vector<16xi32>
    %add3A_73 = arith.addi %min3A_71, %add3A_72 : vector<16xi32>
    %swap3A_74 = arith.constant 64 : index
    %swap3A_75 = tpu.vector_load %arg6[%swap3A_74] {strides = array<i32>} : memref<80xi32, #tpu.memory_space<vmem>>, vector<16xi32>,
    %swap3A_76 = vector.shape_cast %swap3A_75 : vector<16xi32> to vector<16xi32>
    %swap3A_77 = vector.shape_cast %add3A_73 : vector<16xi32> to vector<16xi32>
    tpu.vector_store %arg6[%swap3A_74], %swap3A_77 {strides = array<i32>} : memref<80xi32, #tpu.memory_space<vmem>>, vector<16xi32>,
    %dma_start3A = arith.constant 0 : i32
    %dma_start3A_78 = arith.constant 0 : i32
    %dma_start3A_79 = tpu.memref_slice %arg3[%dma_start3A, %dma_start3A_78] : memref<5000x128xi32, #tpu.memory_space<hbm>> -> memref<5000x128xi32, #tpu.memory_space<hbm>>
    tpu.enqueue_indirect_dma source(%dma_start3A_79 : memref<5000x128xi32, #tpu.memory_space<hbm>>) target(%arg7 : memref<80x128xi32, #tpu.memory_space<vmem>>) offsets(%arg6 : memref<80xi32, #tpu.memory_space<vmem>>) semaphore(%arg13 : memref<!tpu.dma_semaphore, #tpu.memory_space<semaphore_mem>>)
    %dma_start3A_80 = arith.constant 0 : i32
    %dma_start3A_81 = tpu.memref_slice %arg3[%add3A_10, %dma_start3A_80] : memref<5000x128xi32, #tpu.memory_space<hbm>> -> memref<1x128xi32, #tpu.memory_space<hbm>>
    %dma_start3A_82 = tpu.memref_squeeze %dma_start3A_81 : memref<1x128xi32, #tpu.memory_space<hbm>> -> memref<128xi32, #tpu.memory_space<hbm>>
    %dma_start3A_83 = arith.constant 0 : i32
    %dma_start3A_84 = tpu.memref_slice %arg3[%add3A_10, %dma_start3A_83] : memref<5000x128xi32, #tpu.memory_space<hbm>> -> memref<1x128xi32, #tpu.memory_space<hbm>>
    %dma_start3A_85 = tpu.memref_squeeze %dma_start3A_84 : memref<1x128xi32, #tpu.memory_space<hbm>> -> memref<128xi32, #tpu.memory_space<hbm>>
    tpu.enqueue_dma source(%dma_start3A_85 : memref<128xi32, #tpu.memory_space<hbm>>) target(%arg8 : memref<128xi32, #tpu.memory_space<vmem>>) target_semaphore(%arg14 : memref<!tpu.dma_semaphore, #tpu.memory_space<semaphore_mem>>)
    %add3A_86 = arith.constant 1 : i32
    %add3A_87 = arith.addi %add3A_10, %add3A_86 : i32
    %dma_start3A_88 = arith.constant 0 : i32
    %dma_start3A_89 = tpu.memref_slice %arg3[%add3A_87, %dma_start3A_88] : memref<5000x128xi32, #tpu.memory_space<hbm>> -> memref<1x128xi32, #tpu.memory_space<hbm>>
    %dma_start3A_90 = tpu.memref_squeeze %dma_start3A_89 : memref<1x128xi32, #tpu.memory_space<hbm>> -> memref<128xi32, #tpu.memory_space<hbm>>
    %dma_start3A_91 = arith.constant 0 : i32
    %dma_start3A_92 = tpu.memref_slice %arg3[%add3A_87, %dma_start3A_91] : memref<5000x128xi32, #tpu.memory_space<hbm>> -> memref<1x128xi32, #tpu.memory_space<hbm>>
    %dma_start3A_93 = tpu.memref_squeeze %dma_start3A_92 : memref<1x128xi32, #tpu.memory_space<hbm>> -> memref<128xi32, #tpu.memory_space<hbm>>
    tpu.enqueue_dma source(%dma_start3A_93 : memref<128xi32, #tpu.memory_space<hbm>>) target(%arg9 : memref<128xi32, #tpu.memory_space<vmem>>) target_semaphore(%arg15 : memref<!tpu.dma_semaphore, #tpu.memory_space<semaphore_mem>>)
    %mul3A_94 = arith.constant 632 : i32
    %mul3A_95 = arith.muli %arg1, %mul3A_94 : i32
    %add3A_96 = arith.constant 0 : i32
    %add3A_97 = arith.addi %mul3A_95, %add3A_96 : i32
    "tpu.region"() ({
      %run_scoped3A = tpu.sem_alloc : memref<!tpu.dma_semaphore, #tpu.memory_space<semaphore_mem>>
      %dma_start3A_155 = arith.constant 0 : i32
      %dma_start3A_156 = tpu.memref_slice %arg12[%add3A_97, %dma_start3A_155] : memref<10112x128xf32, #tpu.memory_space<vmem_shared>> -> memref<128x128xf32, #tpu.memory_space<vmem_shared>>
      tpu.enqueue_dma source(%arg4 : memref<128x128xf32, #tpu.memory_space<hbm>>) target(%dma_start3A_156 : memref<128x128xf32, #tpu.memory_space<vmem_shared>>) target_semaphore(%run_scoped3A : memref<!tpu.dma_semaphore, #tpu.memory_space<semaphore_mem>>)
      %dma_wait3A_157 = arith.constant 0 : i32
      %dma_wait3A_158 = tpu.memref_slice %arg12[%add3A_97, %dma_wait3A_157] : memref<10112x128xf32, #tpu.memory_space<vmem_shared>> -> memref<128x128xf32, #tpu.memory_space<vmem_shared>>
      tpu.wait_dma2 semaphore(%run_scoped3A : memref<!tpu.dma_semaphore, #tpu.memory_space<semaphore_mem>>) src(%arg4 : memref<128x128xf32, #tpu.memory_space<hbm>>) dst(%dma_wait3A_158 : memref<128x128xf32, #tpu.memory_space<vmem_shared>>)
      tpu.yield
    }) : () -> ()
    %mul3A_98 = arith.constant 632 : i32
    %mul3A_99 = arith.muli %arg1, %mul3A_98 : i32
    %add3A_100 = arith.constant 128 : i32
    %add3A_101 = arith.addi %mul3A_99, %add3A_100 : i32
    "tpu.region"() ({
      %run_scoped3A = tpu.sem_alloc : memref<!tpu.dma_semaphore, #tpu.memory_space<semaphore_mem>>
      %dma_start3A_155 = arith.constant 0 : i32
      %dma_start3A_156 = tpu.memref_slice %arg12[%add3A_101, %dma_start3A_155] : memref<10112x128xf32, #tpu.memory_space<vmem_shared>> -> memref<128x128xf32, #tpu.memory_space<vmem_shared>>
      tpu.enqueue_dma source(%arg4 : memref<128x128xf32, #tpu.memory_space<hbm>>) target(%dma_start3A_156 : memref<128x128xf32, #tpu.memory_space<vmem_shared>>) target_semaphore(%run_scoped3A : memref<!tpu.dma_semaphore, #tpu.memory_space<semaphore_mem>>)
      %dma_wait3A_157 = arith.constant 0 : i32
      %dma_wait3A_158 = tpu.memref_slice %arg12[%add3A_101, %dma_wait3A_157] : memref<10112x128xf32, #tpu.memory_space<vmem_shared>> -> memref<128x128xf32, #tpu.memory_space<vmem_shared>>
      tpu.wait_dma2 semaphore(%run_scoped3A : memref<!tpu.dma_semaphore, #tpu.memory_space<semaphore_mem>>) src(%arg4 : memref<128x128xf32, #tpu.memory_space<hbm>>) dst(%dma_wait3A_158 : memref<128x128xf32, #tpu.memory_space<vmem_shared>>)
      tpu.yield
    }) : () -> ()
    %mul3A_102 = arith.constant 632 : i32
    %mul3A_103 = arith.muli %arg1, %mul3A_102 : i32
    %add3A_104 = arith.constant 256 : i32
    %add3A_105 = arith.addi %mul3A_103, %add3A_104 : i32
    "tpu.region"() ({
      %run_scoped3A = tpu.sem_alloc : memref<!tpu.dma_semaphore, #tpu.memory_space<semaphore_mem>>
      %dma_start3A_155 = arith.constant 0 : i32
      %dma_start3A_156 = tpu.memref_slice %arg12[%add3A_105, %dma_start3A_155] : memref<10112x128xf32, #tpu.memory_space<vmem_shared>> -> memref<128x128xf32, #tpu.memory_space<vmem_shared>>
      tpu.enqueue_dma source(%arg4 : memref<128x128xf32, #tpu.memory_space<hbm>>) target(%dma_start3A_156 : memref<128x128xf32, #tpu.memory_space<vmem_shared>>) target_semaphore(%run_scoped3A : memref<!tpu.dma_semaphore, #tpu.memory_space<semaphore_mem>>)
      %dma_wait3A_157 = arith.constant 0 : i32
      %dma_wait3A_158 = tpu.memref_slice %arg12[%add3A_105, %dma_wait3A_157] : memref<10112x128xf32, #tpu.memory_space<vmem_shared>> -> memref<128x128xf32, #tpu.memory_space<vmem_shared>>
      tpu.wait_dma2 semaphore(%run_scoped3A : memref<!tpu.dma_semaphore, #tpu.memory_space<semaphore_mem>>) src(%arg4 : memref<128x128xf32, #tpu.memory_space<hbm>>) dst(%dma_wait3A_158 : memref<128x128xf32, #tpu.memory_space<vmem_shared>>)
      tpu.yield
    }) : () -> ()
    %mul3A_106 = arith.constant 632 : i32
    %mul3A_107 = arith.muli %arg1, %mul3A_106 : i32
    %add3A_108 = arith.constant 384 : i32
    %add3A_109 = arith.addi %mul3A_107, %add3A_108 : i32
    "tpu.region"() ({
      %run_scoped3A = tpu.sem_alloc : memref<!tpu.dma_semaphore, #tpu.memory_space<semaphore_mem>>
      %dma_start3A_155 = arith.constant 0 : i32
      %dma_start3A_156 = tpu.memref_slice %arg12[%add3A_109, %dma_start3A_155] : memref<10112x128xf32, #tpu.memory_space<vmem_shared>> -> memref<128x128xf32, #tpu.memory_space<vmem_shared>>
      tpu.enqueue_dma source(%arg4 : memref<128x128xf32, #tpu.memory_space<hbm>>) target(%dma_start3A_156 : memref<128x128xf32, #tpu.memory_space<vmem_shared>>) target_semaphore(%run_scoped3A : memref<!tpu.dma_semaphore, #tpu.memory_space<semaphore_mem>>)
      %dma_wait3A_157 = arith.constant 0 : i32
      %dma_wait3A_158 = tpu.memref_slice %arg12[%add3A_109, %dma_wait3A_157] : memref<10112x128xf32, #tpu.memory_space<vmem_shared>> -> memref<128x128xf32, #tpu.memory_space<vmem_shared>>
      tpu.wait_dma2 semaphore(%run_scoped3A : memref<!tpu.dma_semaphore, #tpu.memory_space<semaphore_mem>>) src(%arg4 : memref<128x128xf32, #tpu.memory_space<hbm>>) dst(%dma_wait3A_158 : memref<128x128xf32, #tpu.memory_space<vmem_shared>>)
      tpu.yield
    }) : () -> ()
    %mul3A_110 = arith.constant 632 : i32
    %mul3A_111 = arith.muli %arg1, %mul3A_110 : i32
    %add3A_112 = arith.constant 512 : i32
    %add3A_113 = arith.addi %mul3A_111, %add3A_112 : i32
    "tpu.region"() ({
      %run_scoped3A = tpu.sem_alloc : memref<!tpu.dma_semaphore, #tpu.memory_space<semaphore_mem>>
      %dma_start3A_155 = arith.constant 0 : i32
      %dma_start3A_156 = tpu.memref_slice %arg12[%add3A_113, %dma_start3A_155] : memref<10112x128xf32, #tpu.memory_space<vmem_shared>> -> memref<120x128xf32, #tpu.memory_space<vmem_shared>>
      %dma_start3A_157 = arith.constant 0 : i32
      %dma_start3A_158 = arith.constant 0 : i32
      %dma_start3A_159 = tpu.memref_slice %arg4[%dma_start3A_157, %dma_start3A_158] : memref<128x128xf32, #tpu.memory_space<hbm>> -> memref<120x128xf32, #tpu.memory_space<hbm>>
      tpu.enqueue_dma source(%dma_start3A_159 : memref<120x128xf32, #tpu.memory_space<hbm>>) target(%dma_start3A_156 : memref<120x128xf32, #tpu.memory_space<vmem_shared>>) target_semaphore(%run_scoped3A : memref<!tpu.dma_semaphore, #tpu.memory_space<semaphore_mem>>)
      %dma_wait3A_160 = arith.constant 0 : i32
      %dma_wait3A_161 = tpu.memref_slice %arg12[%add3A_113, %dma_wait3A_160] : memref<10112x128xf32, #tpu.memory_space<vmem_shared>> -> memref<120x128xf32, #tpu.memory_space<vmem_shared>>
      %dma_wait3A_162 = arith.constant 0 : i32
      %dma_wait3A_163 = arith.constant 0 : i32
      %dma_wait3A_164 = tpu.memref_slice %arg4[%dma_wait3A_162, %dma_wait3A_163] : memref<128x128xf32, #tpu.memory_space<hbm>> -> memref<120x128xf32, #tpu.memory_space<hbm>>
      tpu.wait_dma2 semaphore(%run_scoped3A : memref<!tpu.dma_semaphore, #tpu.memory_space<semaphore_mem>>) src(%dma_wait3A_164 : memref<120x128xf32, #tpu.memory_space<hbm>>) dst(%dma_wait3A_161 : memref<120x128xf32, #tpu.memory_space<vmem_shared>>)
      tpu.yield
    }) : () -> ()
    %dma_wait3A = arith.constant 0 : i32
    %dma_wait3A_114 = arith.constant 0 : i32
    %dma_wait3A_115 = tpu.memref_slice %arg3[%dma_wait3A, %dma_wait3A_114] : memref<5000x128xi32, #tpu.memory_space<hbm>> -> memref<5000x128xi32, #tpu.memory_space<hbm>>
    tpu.wait_indirect_dma semaphore(%arg13 : memref<!tpu.dma_semaphore, #tpu.memory_space<semaphore_mem>>) src(%dma_wait3A_115 : memref<5000x128xi32, #tpu.memory_space<hbm>>) dst(%arg7 : memref<80x128xi32, #tpu.memory_space<vmem>>)
    %dma_start3A_116 = arith.constant 0 : i32
    %dma_start3A_117 = arith.constant 0 : i32
    %dma_start3A_118 = tpu.memref_slice %arg7[%dma_start3A_116, %dma_start3A_117] : memref<80x128xi32, #tpu.memory_space<vmem>> -> memref<1x128xi32, #tpu.memory_space<vmem>>
    %dma_start3A_119 = tpu.memref_squeeze %dma_start3A_118 : memref<1x128xi32, #tpu.memory_space<vmem>> -> memref<128xi32, #tpu.memory_space<vmem>>
    %dma_start3A_120 = arith.constant 0 : i32
    %dma_start3A_121 = arith.constant 0 : i32
    %dma_start3A_122 = tpu.memref_slice %arg2[%dma_start3A_120, %dma_start3A_121] : memref<10240x128xf32, #tpu.memory_space<hbm>> -> memref<10240x128xf32, #tpu.memory_space<hbm>>
    tpu.enqueue_indirect_dma source(%dma_start3A_122 : memref<10240x128xf32, #tpu.memory_space<hbm>>) target(%arg10 : memref<128x128xf32, #tpu.memory_space<vmem>>) offsets(%dma_start3A_119 : memref<128xi32, #tpu.memory_space<vmem>>) semaphore(%arg16 : memref<!tpu.dma_semaphore, #tpu.memory_space<semaphore_mem>>)
    %dma_start3A_123 = arith.constant 1 : i32
    %dma_start3A_124 = arith.constant 0 : i32
    %dma_start3A_125 = tpu.memref_slice %arg7[%dma_start3A_123, %dma_start3A_124] : memref<80x128xi32, #tpu.memory_space<vmem>> -> memref<1x128xi32, #tpu.memory_space<vmem>>
    %dma_start3A_126 = tpu.memref_squeeze %dma_start3A_125 : memref<1x128xi32, #tpu.memory_space<vmem>> -> memref<128xi32, #tpu.memory_space<vmem>>
    %dma_start3A_127 = arith.constant 0 : i32
    %dma_start3A_128 = arith.constant 0 : i32
    %dma_start3A_129 = tpu.memref_slice %arg2[%dma_start3A_127, %dma_start3A_128] : memref<10240x128xf32, #tpu.memory_space<hbm>> -> memref<10240x128xf32, #tpu.memory_space<hbm>>
    tpu.enqueue_indirect_dma source(%dma_start3A_129 : memref<10240x128xf32, #tpu.memory_space<hbm>>) target(%arg11 : memref<128x128xf32, #tpu.memory_space<vmem>>) offsets(%dma_start3A_126 : memref<128xi32, #tpu.memory_space<vmem>>) semaphore(%arg17 : memref<!tpu.dma_semaphore, #tpu.memory_space<semaphore_mem>>)
    %barrier3A = arith.constant 0 : index
    tpu.barrier barrier_id(%barrier3A)
    %scan3A = arith.constant 0 : i32
    %scan3A_130 = arith.constant 0 : i32
    %scan3A_131 = arith.constant 39 : i32
    %scan3A_132 = arith.addi %scan3A_130, %scan3A_131 : i32
    %scan3A_133 = arith.constant 1 : i32
    scf.for %scan3A_155 = %scan3A_130 to %scan3A_132 step %scan3A_133  : i32 {
      %mul3A_156 = arith.constant 2 : i32
      %mul3A_157 = arith.muli %scan3A_155, %mul3A_156 : i32
      %add3A_158 = arith.constant 2 : i32
      %add3A_159 = arith.addi %mul3A_157, %add3A_158 : i32
      %sub3A_160 = arith.constant 1 : i32
      %sub3A_161 = arith.subi %add3A_4, %sub3A_160 : i32
      %min3A_162 = arith.minsi %add3A_159, %sub3A_161 : i32
      %add3A_163 = arith.constant 3 : i32
      %add3A_164 = arith.addi %mul3A_157, %add3A_163 : i32
      %sub3A_165 = arith.constant 1 : i32
      %sub3A_166 = arith.subi %add3A_4, %sub3A_165 : i32
      %min3A_167 = arith.minsi %add3A_164, %sub3A_166 : i32
      tpu.wait_dma2 semaphore(%arg16 : memref<!tpu.dma_semaphore, #tpu.memory_space<semaphore_mem>>) src(%arg4 : memref<128x128xf32, #tpu.memory_space<hbm>>) dst(%arg10 : memref<128x128xf32, #tpu.memory_space<vmem>>)
      %dma_wait3A_168 = arith.constant 0 : i32
      %dma_wait3A_169 = tpu.memref_slice %arg3[%add3A_10, %dma_wait3A_168] : memref<5000x128xi32, #tpu.memory_space<hbm>> -> memref<1x128xi32, #tpu.memory_space<hbm>>
      %dma_wait3A_170 = tpu.memref_squeeze %dma_wait3A_169 : memref<1x128xi32, #tpu.memory_space<hbm>> -> memref<128xi32, #tpu.memory_space<hbm>>
      %dma_wait3A_171 = arith.constant 0 : i32
      %dma_wait3A_172 = tpu.memref_slice %arg3[%add3A_10, %dma_wait3A_171] : memref<5000x128xi32, #tpu.memory_space<hbm>> -> memref<1x128xi32, #tpu.memory_space<hbm>>
      %dma_wait3A_173 = tpu.memref_squeeze %dma_wait3A_172 : memref<1x128xi32, #tpu.memory_space<hbm>> -> memref<128xi32, #tpu.memory_space<hbm>>
      tpu.wait_dma2 semaphore(%arg14 : memref<!tpu.dma_semaphore, #tpu.memory_space<semaphore_mem>>) src(%dma_wait3A_173 : memref<128xi32, #tpu.memory_space<hbm>>) dst(%arg8 : memref<128xi32, #tpu.memory_space<vmem>>)
      "tpu.region"() ({
        %run_scoped3A = tpu.sem_alloc : memref<!tpu.dma_semaphore, #tpu.memory_space<semaphore_mem>>
        %dma_start3A_206 = arith.constant 0 : i32
        %dma_start3A_207 = arith.constant 0 : i32
        %dma_start3A_208 = tpu.memref_slice %arg12[%dma_start3A_206, %dma_start3A_207] : memref<10112x128xf32, #tpu.memory_space<vmem_shared>> -> memref<10112x128xf32, #tpu.memory_space<vmem_shared>>
        tpu.enqueue_indirect_dma source(%arg10 : memref<128x128xf32, #tpu.memory_space<vmem>>) target(%dma_start3A_208 : memref<10112x128xf32, #tpu.memory_space<vmem_shared>>) offsets(%arg8 : memref<128xi32, #tpu.memory_space<vmem>>) semaphore(%run_scoped3A : memref<!tpu.dma_semaphore, #tpu.memory_space<semaphore_mem>>) {add = true}
        %dma_wait3A_209 = arith.constant 0 : i32
        %dma_wait3A_210 = arith.constant 0 : i32
        %dma_wait3A_211 = tpu.memref_slice %arg12[%dma_wait3A_209, %dma_wait3A_210] : memref<10112x128xf32, #tpu.memory_space<vmem_shared>> -> memref<10112x128xf32, #tpu.memory_space<vmem_shared>>
        tpu.wait_indirect_dma semaphore(%run_scoped3A : memref<!tpu.dma_semaphore, #tpu.memory_space<semaphore_mem>>) src(%arg10 : memref<128x128xf32, #tpu.memory_space<vmem>>) dst(%dma_wait3A_211 : memref<10112x128xf32, #tpu.memory_space<vmem_shared>>)
        tpu.yield
      }) : () -> ()
      %add3A_174 = arith.addi %add3A_10, %min3A_162 : i32
      %dma_start3A_175 = arith.constant 0 : i32
      %dma_start3A_176 = tpu.memref_slice %arg3[%add3A_174, %dma_start3A_175] : memref<5000x128xi32, #tpu.memory_space<hbm>> -> memref<1x128xi32, #tpu.memory_space<hbm>>
      %dma_start3A_177 = tpu.memref_squeeze %dma_start3A_176 : memref<1x128xi32, #tpu.memory_space<hbm>> -> memref<128xi32, #tpu.memory_space<hbm>>
      %dma_start3A_178 = arith.constant 0 : i32
      %dma_start3A_179 = tpu.memref_slice %arg3[%add3A_174, %dma_start3A_178] : memref<5000x128xi32, #tpu.memory_space<hbm>> -> memref<1x128xi32, #tpu.memory_space<hbm>>
      %dma_start3A_180 = tpu.memref_squeeze %dma_start3A_179 : memref<1x128xi32, #tpu.memory_space<hbm>> -> memref<128xi32, #tpu.memory_space<hbm>>
      tpu.enqueue_dma source(%dma_start3A_180 : memref<128xi32, #tpu.memory_space<hbm>>) target(%arg8 : memref<128xi32, #tpu.memory_space<vmem>>) target_semaphore(%arg14 : memref<!tpu.dma_semaphore, #tpu.memory_space<semaphore_mem>>)
      %dma_start3A_181 = arith.constant 0 : i32
      %dma_start3A_182 = tpu.memref_slice %arg7[%min3A_162, %dma_start3A_181] : memref<80x128xi32, #tpu.memory_space<vmem>> -> memref<1x128xi32, #tpu.memory_space<vmem>>
      %dma_start3A_183 = tpu.memref_squeeze %dma_start3A_182 : memref<1x128xi32, #tpu.memory_space<vmem>> -> memref<128xi32, #tpu.memory_space<vmem>>
      %dma_start3A_184 = arith.constant 0 : i32
      %dma_start3A_185 = arith.constant 0 : i32
      %dma_start3A_186 = tpu.memref_slice %arg2[%dma_start3A_184, %dma_start3A_185] : memref<10240x128xf32, #tpu.memory_space<hbm>> -> memref<10240x128xf32, #tpu.memory_space<hbm>>
      tpu.enqueue_indirect_dma source(%dma_start3A_186 : memref<10240x128xf32, #tpu.memory_space<hbm>>) target(%arg10 : memref<128x128xf32, #tpu.memory_space<vmem>>) offsets(%dma_start3A_183 : memref<128xi32, #tpu.memory_space<vmem>>) semaphore(%arg16 : memref<!tpu.dma_semaphore, #tpu.memory_space<semaphore_mem>>)
      tpu.wait_dma2 semaphore(%arg17 : memref<!tpu.dma_semaphore, #tpu.memory_space<semaphore_mem>>) src(%arg4 : memref<128x128xf32, #tpu.memory_space<hbm>>) dst(%arg11 : memref<128x128xf32, #tpu.memory_space<vmem>>)
      %dma_wait3A_187 = arith.constant 0 : i32
      %dma_wait3A_188 = tpu.memref_slice %arg3[%add3A_10, %dma_wait3A_187] : memref<5000x128xi32, #tpu.memory_space<hbm>> -> memref<1x128xi32, #tpu.memory_space<hbm>>
      %dma_wait3A_189 = tpu.memref_squeeze %dma_wait3A_188 : memref<1x128xi32, #tpu.memory_space<hbm>> -> memref<128xi32, #tpu.memory_space<hbm>>
      %dma_wait3A_190 = arith.constant 0 : i32
      %dma_wait3A_191 = tpu.memref_slice %arg3[%add3A_10, %dma_wait3A_190] : memref<5000x128xi32, #tpu.memory_space<hbm>> -> memref<1x128xi32, #tpu.memory_space<hbm>>
      %dma_wait3A_192 = tpu.memref_squeeze %dma_wait3A_191 : memref<1x128xi32, #tpu.memory_space<hbm>> -> memref<128xi32, #tpu.memory_space<hbm>>
      tpu.wait_dma2 semaphore(%arg15 : memref<!tpu.dma_semaphore, #tpu.memory_space<semaphore_mem>>) src(%dma_wait3A_192 : memref<128xi32, #tpu.memory_space<hbm>>) dst(%arg9 : memref<128xi32, #tpu.memory_space<vmem>>)
      "tpu.region"() ({
        %run_scoped3A = tpu.sem_alloc : memref<!tpu.dma_semaphore, #tpu.memory_space<semaphore_mem>>
        %dma_start3A_206 = arith.constant 0 : i32
        %dma_start3A_207 = arith.constant 0 : i32
        %dma_start3A_208 = tpu.memref_slice %arg12[%dma_start3A_206, %dma_start3A_207] : memref<10112x128xf32, #tpu.memory_space<vmem_shared>> -> memref<10112x128xf32, #tpu.memory_space<vmem_shared>>
        tpu.enqueue_indirect_dma source(%arg11 : memref<128x128xf32, #tpu.memory_space<vmem>>) target(%dma_start3A_208 : memref<10112x128xf32, #tpu.memory_space<vmem_shared>>) offsets(%arg9 : memref<128xi32, #tpu.memory_space<vmem>>) semaphore(%run_scoped3A : memref<!tpu.dma_semaphore, #tpu.memory_space<semaphore_mem>>) {add = true}
        %dma_wait3A_209 = arith.constant 0 : i32
        %dma_wait3A_210 = arith.constant 0 : i32
        %dma_wait3A_211 = tpu.memref_slice %arg12[%dma_wait3A_209, %dma_wait3A_210] : memref<10112x128xf32, #tpu.memory_space<vmem_shared>> -> memref<10112x128xf32, #tpu.memory_space<vmem_shared>>
        tpu.wait_indirect_dma semaphore(%run_scoped3A : memref<!tpu.dma_semaphore, #tpu.memory_space<semaphore_mem>>) src(%arg11 : memref<128x128xf32, #tpu.memory_space<vmem>>) dst(%dma_wait3A_211 : memref<10112x128xf32, #tpu.memory_space<vmem_shared>>)
        tpu.yield
      }) : () -> ()
      %add3A_193 = arith.addi %add3A_10, %min3A_167 : i32
      %dma_start3A_194 = arith.constant 0 : i32
      %dma_start3A_195 = tpu.memref_slice %arg3[%add3A_193, %dma_start3A_194] : memref<5000x128xi32, #tpu.memory_space<hbm>> -> memref<1x128xi32, #tpu.memory_space<hbm>>
      %dma_start3A_196 = tpu.memref_squeeze %dma_start3A_195 : memref<1x128xi32, #tpu.memory_space<hbm>> -> memref<128xi32, #tpu.memory_space<hbm>>
      %dma_start3A_197 = arith.constant 0 : i32
      %dma_start3A_198 = tpu.memref_slice %arg3[%add3A_193, %dma_start3A_197] : memref<5000x128xi32, #tpu.memory_space<hbm>> -> memref<1x128xi32, #tpu.memory_space<hbm>>
      %dma_start3A_199 = tpu.memref_squeeze %dma_start3A_198 : memref<1x128xi32, #tpu.memory_space<hbm>> -> memref<128xi32, #tpu.memory_space<hbm>>
      tpu.enqueue_dma source(%dma_start3A_199 : memref<128xi32, #tpu.memory_space<hbm>>) target(%arg9 : memref<128xi32, #tpu.memory_space<vmem>>) target_semaphore(%arg15 : memref<!tpu.dma_semaphore, #tpu.memory_space<semaphore_mem>>)
      %dma_start3A_200 = arith.constant 0 : i32
      %dma_start3A_201 = tpu.memref_slice %arg7[%min3A_167, %dma_start3A_200] : memref<80x128xi32, #tpu.memory_space<vmem>> -> memref<1x128xi32, #tpu.memory_space<vmem>>
      %dma_start3A_202 = tpu.memref_squeeze %dma_start3A_201 : memref<1x128xi32, #tpu.memory_space<vmem>> -> memref<128xi32, #tpu.memory_space<vmem>>
      %dma_start3A_203 = arith.constant 0 : i32
      %dma_start3A_204 = arith.constant 0 : i32
      %dma_start3A_205 = tpu.memref_slice %arg2[%dma_start3A_203, %dma_start3A_204] : memref<10240x128xf32, #tpu.memory_space<hbm>> -> memref<10240x128xf32, #tpu.memory_space<hbm>>
      tpu.enqueue_indirect_dma source(%dma_start3A_205 : memref<10240x128xf32, #tpu.memory_space<hbm>>) target(%arg11 : memref<128x128xf32, #tpu.memory_space<vmem>>) offsets(%dma_start3A_202 : memref<128xi32, #tpu.memory_space<vmem>>) semaphore(%arg17 : memref<!tpu.dma_semaphore, #tpu.memory_space<semaphore_mem>>)
    }
    %scan3A_134 = arith.constant 39 : i32
    tpu.wait_dma2 semaphore(%arg16 : memref<!tpu.dma_semaphore, #tpu.memory_space<semaphore_mem>>) src(%arg4 : memref<128x128xf32, #tpu.memory_space<hbm>>) dst(%arg10 : memref<128x128xf32, #tpu.memory_space<vmem>>)
    %dma_wait3A_135 = arith.constant 0 : i32
    %dma_wait3A_136 = tpu.memref_slice %arg3[%add3A_10, %dma_wait3A_135] : memref<5000x128xi32, #tpu.memory_space<hbm>> -> memref<1x128xi32, #tpu.memory_space<hbm>>
    %dma_wait3A_137 = tpu.memref_squeeze %dma_wait3A_136 : memref<1x128xi32, #tpu.memory_space<hbm>> -> memref<128xi32, #tpu.memory_space<hbm>>
    %dma_wait3A_138 = arith.constant 0 : i32
    %dma_wait3A_139 = tpu.memref_slice %arg3[%add3A_10, %dma_wait3A_138] : memref<5000x128xi32, #tpu.memory_space<hbm>> -> memref<1x128xi32, #tpu.memory_space<hbm>>
    %dma_wait3A_140 = tpu.memref_squeeze %dma_wait3A_139 : memref<1x128xi32, #tpu.memory_space<hbm>> -> memref<128xi32, #tpu.memory_space<hbm>>
    tpu.wait_dma2 semaphore(%arg14 : memref<!tpu.dma_semaphore, #tpu.memory_space<semaphore_mem>>) src(%dma_wait3A_140 : memref<128xi32, #tpu.memory_space<hbm>>) dst(%arg8 : memref<128xi32, #tpu.memory_space<vmem>>)
    %lt3A_141 = arith.constant 4 : i32
    %lt3A_142 = arith.cmpi slt, %add3A, %lt3A_141 : i32
    %convert_element_type3A = arith.extui %lt3A_142 : i1 to i32
    %cond3A = arith.constant 0 : i32
    %cond3A_143 = arith.cmpi ne, %convert_element_type3A, %cond3A : i32
    scf.if %cond3A_143 {
      "tpu.region"() ({
        %run_scoped3A = tpu.sem_alloc : memref<!tpu.dma_semaphore, #tpu.memory_space<semaphore_mem>>
        %dma_start3A_155 = arith.constant 0 : i32
        %dma_start3A_156 = arith.constant 0 : i32
        %dma_start3A_157 = tpu.memref_slice %arg12[%dma_start3A_155, %dma_start3A_156] : memref<10112x128xf32, #tpu.memory_space<vmem_shared>> -> memref<10112x128xf32, #tpu.memory_space<vmem_shared>>
        tpu.enqueue_indirect_dma source(%arg10 : memref<128x128xf32, #tpu.memory_space<vmem>>) target(%dma_start3A_157 : memref<10112x128xf32, #tpu.memory_space<vmem_shared>>) offsets(%arg8 : memref<128xi32, #tpu.memory_space<vmem>>) semaphore(%run_scoped3A : memref<!tpu.dma_semaphore, #tpu.memory_space<semaphore_mem>>) {add = true}
        %dma_wait3A_158 = arith.constant 0 : i32
        %dma_wait3A_159 = arith.constant 0 : i32
        %dma_wait3A_160 = tpu.memref_slice %arg12[%dma_wait3A_158, %dma_wait3A_159] : memref<10112x128xf32, #tpu.memory_space<vmem_shared>> -> memref<10112x128xf32, #tpu.memory_space<vmem_shared>>
        tpu.wait_indirect_dma semaphore(%run_scoped3A : memref<!tpu.dma_semaphore, #tpu.memory_space<semaphore_mem>>) src(%arg10 : memref<128x128xf32, #tpu.memory_space<vmem>>) dst(%dma_wait3A_160 : memref<10112x128xf32, #tpu.memory_space<vmem_shared>>)
        tpu.yield
      }) : () -> ()
    } else {
    }
    tpu.wait_dma2 semaphore(%arg17 : memref<!tpu.dma_semaphore, #tpu.memory_space<semaphore_mem>>) src(%arg4 : memref<128x128xf32, #tpu.memory_space<hbm>>) dst(%arg11 : memref<128x128xf32, #tpu.memory_space<vmem>>)
    %dma_wait3A_144 = arith.constant 0 : i32
    %dma_wait3A_145 = tpu.memref_slice %arg3[%add3A_10, %dma_wait3A_144] : memref<5000x128xi32, #tpu.memory_space<hbm>> -> memref<1x128xi32, #tpu.memory_space<hbm>>
    %dma_wait3A_146 = tpu.memref_squeeze %dma_wait3A_145 : memref<1x128xi32, #tpu.memory_space<hbm>> -> memref<128xi32, #tpu.memory_space<hbm>>
    %dma_wait3A_147 = arith.constant 0 : i32
    %dma_wait3A_148 = tpu.memref_slice %arg3[%add3A_10, %dma_wait3A_147] : memref<5000x128xi32, #tpu.memory_space<hbm>> -> memref<1x128xi32, #tpu.memory_space<hbm>>
    %dma_wait3A_149 = tpu.memref_squeeze %dma_wait3A_148 : memref<1x128xi32, #tpu.memory_space<hbm>> -> memref<128xi32, #tpu.memory_space<hbm>>
    tpu.wait_dma2 semaphore(%arg15 : memref<!tpu.dma_semaphore, #tpu.memory_space<semaphore_mem>>) src(%dma_wait3A_149 : memref<128xi32, #tpu.memory_space<hbm>>) dst(%arg9 : memref<128xi32, #tpu.memory_space<vmem>>)
    %barrier3A_150 = arith.constant 0 : index
    tpu.barrier barrier_id(%barrier3A_150)
    %mul3A_151 = arith.constant 632 : i32
    %mul3A_152 = arith.muli %arg1, %mul3A_151 : i32
    %mul3A_153 = arith.constant 632 : i32
    %mul3A_154 = arith.muli %arg1, %mul3A_153 : i32
    "tpu.region"() ({
      %run_scoped3A = tpu.sem_alloc : memref<!tpu.dma_semaphore, #tpu.memory_space<semaphore_mem>>
      %dma_start3A_155 = arith.constant 0 : i32
      %dma_start3A_156 = tpu.memref_slice %arg5[%arg0, %mul3A_154, %dma_start3A_155] : memref<2x10112x128xf32, #tpu.memory_space<hbm>> -> memref<1x632x128xf32, #tpu.memory_space<hbm>>
      %dma_start3A_157 = tpu.memref_squeeze %dma_start3A_156 : memref<1x632x128xf32, #tpu.memory_space<hbm>> -> memref<632x128xf32, #tpu.memory_space<hbm>>
      %dma_start3A_158 = arith.constant 0 : i32
      %dma_start3A_159 = tpu.memref_slice %arg12[%mul3A_152, %dma_start3A_158] : memref<10112x128xf32, #tpu.memory_space<vmem_shared>> -> memref<632x128xf32, #tpu.memory_space<vmem_shared>>
      tpu.enqueue_dma source(%dma_start3A_159 : memref<632x128xf32, #tpu.memory_space<vmem_shared>>) target(%dma_start3A_157 : memref<632x128xf32, #tpu.memory_space<hbm>>) target_semaphore(%run_scoped3A : memref<!tpu.dma_semaphore, #tpu.memory_space<semaphore_mem>>)
      %dma_wait3A_160 = arith.constant 0 : i32
      %dma_wait3A_161 = tpu.memref_slice %arg5[%arg0, %mul3A_154, %dma_wait3A_160] : memref<2x10112x128xf32, #tpu.memory_space<hbm>> -> memref<1x632x128xf32, #tpu.memory_space<hbm>>
      %dma_wait3A_162 = tpu.memref_squeeze %dma_wait3A_161 : memref<1x632x128xf32, #tpu.memory_space<hbm>> -> memref<632x128xf32, #tpu.memory_space<hbm>>
      %dma_wait3A_163 = arith.constant 0 : i32
      %dma_wait3A_164 = tpu.memref_slice %arg12[%mul3A_152, %dma_wait3A_163] : memref<10112x128xf32, #tpu.memory_space<vmem_shared>> -> memref<632x128xf32, #tpu.memory_space<vmem_shared>>
      tpu.wait_dma2 semaphore(%run_scoped3A : memref<!tpu.dma_semaphore, #tpu.memory_space<semaphore_mem>>) src(%dma_wait3A_164 : memref<632x128xf32, #tpu.memory_space<vmem_shared>>) dst(%dma_wait3A_162 : memref<632x128xf32, #tpu.memory_space<hbm>>)
      tpu.yield
    }) : () -> ()
    return
  }
}

#map = affine_map<(d0, d1) -> (0, 0)>
#map1 = affine_map<(d0, d1) -> (0, 0, 0)>
module attributes {stable_mosaic.version = 14 : i64} {
  func.func @_agg_kernel(%arg0: i32, %arg1: i32, %arg2: memref<10240x128xf32, #tpu.memory_space<hbm>>, %arg3: memref<5000x128xi32, #tpu.memory_space<hbm>>, %arg4: memref<128x128xf32, #tpu.memory_space<hbm>>, %arg5: memref<2x10112x128xf32, #tpu.memory_space<hbm>>, %arg6: memref<80xi32, #tpu.memory_space<vmem>>, %arg7: memref<80x128xi32, #tpu.memory_space<vmem>>, %arg8: memref<128xi32, #tpu.memory_space<vmem>>, %arg9: memref<128xi32, #tpu.memory_space<vmem>>, %arg10: memref<128x128xf32, #tpu.memory_space<vmem>>, %arg11: memref<128x128xf32, #tpu.memory_space<vmem>>, %arg12: memref<10112x128xf32, #tpu.memory_space<vmem_shared>>, %arg13: memref<!tpu.dma_semaphore, #tpu.memory_space<semaphore_mem>>, %arg14: memref<!tpu.dma_semaphore, #tpu.memory_space<semaphore_mem>>, %arg15: memref<!tpu.dma_semaphore, #tpu.memory_space<semaphore_mem>>, %arg16: memref<!tpu.dma_semaphore, #tpu.memory_space<semaphore_mem>>, %arg17: memref<!tpu.dma_semaphore, #tpu.memory_space<semaphore_mem>>) attributes {dimension_semantics = [#tpu.dimension_semantics<core_parallel>, #tpu.dimension_semantics<subcore_parallel>], iteration_bounds = array<i64: 2, 16>, scalar_prefetch = 0 : i64, scratch_operands = 12 : i64, tpu.core_type = #tpu.core_type<sc_vector_subcore>, window_params = [{transform_indices = #map}, {transform_indices = #map}, {transform_indices = #map}, {transform_indices = #map1}]} {
    %mul3A = arith.constant 16 : i32
    %mul3A_0 = arith.muli %arg0, %mul3A : i32
    %add3A = arith.addi %mul3A_0, %arg1 : i32
    %lt3A = arith.constant 4 : i32
    %lt3A_1 = arith.cmpi slt, %add3A, %lt3A : i32
    %jit3A = arith.constant 1 : i32
    %jit3A_2 = arith.constant 0 : i32
    %select_n3A = arith.select %lt3A_1, %jit3A, %jit3A_2 : i32
    %add3A_3 = arith.constant 78 : i32
    %add3A_4 = arith.addi %add3A_3, %select_n3A : i32
    %mul3A_5 = arith.constant 78 : i32
    %mul3A_6 = arith.muli %add3A, %mul3A_5 : i32
    %min3A = arith.constant 4 : i32
    %min3A_7 = arith.minsi %add3A, %min3A : i32
    %add3A_8 = arith.addi %mul3A_6, %min3A_7 : i32
    %add3A_9 = arith.constant 2500 : i32
    %add3A_10 = arith.addi %add3A_9, %add3A_8 : i32
    %iota3A = tpu.iota {dimensions = array<i32: 0>} : vector<16xi32>
    %add3A_11 = arith.constant 0 : i32
    %add3A_12 = vector.broadcast %add3A_11 : i32 to vector<16xi32>
    %add3A_13 = arith.addi %iota3A, %add3A_12 : vector<16xi32>
    %sub3A = arith.constant 1 : i32
    %sub3A_14 = arith.subi %add3A_4, %sub3A : i32
    %min3A_15 = vector.broadcast %sub3A_14 : i32 to vector<16xi32>
    %min3A_16 = arith.minsi %add3A_13, %min3A_15 : vector<16xi32>
    %add3A_17 = vector.broadcast %add3A_8 : i32 to vector<16xi32>
    %add3A_18 = arith.addi %min3A_16, %add3A_17 : vector<16xi32>
    %swap3A = arith.constant 0 : index
    %swap3A_19 = tpu.vector_load %arg6[%swap3A] {strides = array<i32>} : memref<80xi32, #tpu.memory_space<vmem>>, vector<16xi32>,
    %swap3A_20 = vector.shape_cast %swap3A_19 : vector<16xi32> to vector<16xi32>
    %swap3A_21 = vector.shape_cast %add3A_18 : vector<16xi32> to vector<16xi32>
    tpu.vector_store %arg6[%swap3A], %swap3A_21 {strides = array<i32>} : memref<80xi32, #tpu.memory_space<vmem>>, vector<16xi32>,
    %iota3A_22 = tpu.iota {dimensions = array<i32: 0>} : vector<16xi32>
    %add3A_23 = arith.constant 16 : i32
    %add3A_24 = vector.broadcast %add3A_23 : i32 to vector<16xi32>
    %add3A_25 = arith.addi %iota3A_22, %add3A_24 : vector<16xi32>
    %sub3A_26 = arith.constant 1 : i32
    %sub3A_27 = arith.subi %add3A_4, %sub3A_26 : i32
    %min3A_28 = vector.broadcast %sub3A_27 : i32 to vector<16xi32>
    %min3A_29 = arith.minsi %add3A_25, %min3A_28 : vector<16xi32>
    %add3A_30 = vector.broadcast %add3A_8 : i32 to vector<16xi32>
    %add3A_31 = arith.addi %min3A_29, %add3A_30 : vector<16xi32>
    %swap3A_32 = arith.constant 16 : index
    %swap3A_33 = tpu.vector_load %arg6[%swap3A_32] {strides = array<i32>} : memref<80xi32, #tpu.memory_space<vmem>>, vector<16xi32>,
    %swap3A_34 = vector.shape_cast %swap3A_33 : vector<16xi32> to vector<16xi32>
    %swap3A_35 = vector.shape_cast %add3A_31 : vector<16xi32> to vector<16xi32>
    tpu.vector_store %arg6[%swap3A_32], %swap3A_35 {strides = array<i32>} : memref<80xi32, #tpu.memory_space<vmem>>, vector<16xi32>,
    %iota3A_36 = tpu.iota {dimensions = array<i32: 0>} : vector<16xi32>
    %add3A_37 = arith.constant 32 : i32
    %add3A_38 = vector.broadcast %add3A_37 : i32 to vector<16xi32>
    %add3A_39 = arith.addi %iota3A_36, %add3A_38 : vector<16xi32>
    %sub3A_40 = arith.constant 1 : i32
    %sub3A_41 = arith.subi %add3A_4, %sub3A_40 : i32
    %min3A_42 = vector.broadcast %sub3A_41 : i32 to vector<16xi32>
    %min3A_43 = arith.minsi %add3A_39, %min3A_42 : vector<16xi32>
    %add3A_44 = vector.broadcast %add3A_8 : i32 to vector<16xi32>
    %add3A_45 = arith.addi %min3A_43, %add3A_44 : vector<16xi32>
    %swap3A_46 = arith.constant 32 : index
    %swap3A_47 = tpu.vector_load %arg6[%swap3A_46] {strides = array<i32>} : memref<80xi32, #tpu.memory_space<vmem>>, vector<16xi32>,
    %swap3A_48 = vector.shape_cast %swap3A_47 : vector<16xi32> to vector<16xi32>
    %swap3A_49 = vector.shape_cast %add3A_45 : vector<16xi32> to vector<16xi32>
    tpu.vector_store %arg6[%swap3A_46], %swap3A_49 {strides = array<i32>} : memref<80xi32, #tpu.memory_space<vmem>>, vector<16xi32>,
    %iota3A_50 = tpu.iota {dimensions = array<i32: 0>} : vector<16xi32>
    %add3A_51 = arith.constant 48 : i32
    %add3A_52 = vector.broadcast %add3A_51 : i32 to vector<16xi32>
    %add3A_53 = arith.addi %iota3A_50, %add3A_52 : vector<16xi32>
    %sub3A_54 = arith.constant 1 : i32
    %sub3A_55 = arith.subi %add3A_4, %sub3A_54 : i32
    %min3A_56 = vector.broadcast %sub3A_55 : i32 to vector<16xi32>
    %min3A_57 = arith.minsi %add3A_53, %min3A_56 : vector<16xi32>
    %add3A_58 = vector.broadcast %add3A_8 : i32 to vector<16xi32>
    %add3A_59 = arith.addi %min3A_57, %add3A_58 : vector<16xi32>
    %swap3A_60 = arith.constant 48 : index
    %swap3A_61 = tpu.vector_load %arg6[%swap3A_60] {strides = array<i32>} : memref<80xi32, #tpu.memory_space<vmem>>, vector<16xi32>,
    %swap3A_62 = vector.shape_cast %swap3A_61 : vector<16xi32> to vector<16xi32>
    %swap3A_63 = vector.shape_cast %add3A_59 : vector<16xi32> to vector<16xi32>
    tpu.vector_store %arg6[%swap3A_60], %swap3A_63 {strides = array<i32>} : memref<80xi32, #tpu.memory_space<vmem>>, vector<16xi32>,
    %iota3A_64 = tpu.iota {dimensions = array<i32: 0>} : vector<16xi32>
    %add3A_65 = arith.constant 64 : i32
    %add3A_66 = vector.broadcast %add3A_65 : i32 to vector<16xi32>
    %add3A_67 = arith.addi %iota3A_64, %add3A_66 : vector<16xi32>
    %sub3A_68 = arith.constant 1 : i32
    %sub3A_69 = arith.subi %add3A_4, %sub3A_68 : i32
    %min3A_70 = vector.broadcast %sub3A_69 : i32 to vector<16xi32>
    %min3A_71 = arith.minsi %add3A_67, %min3A_70 : vector<16xi32>
    %add3A_72 = vector.broadcast %add3A_8 : i32 to vector<16xi32>
    %add3A_73 = arith.addi %min3A_71, %add3A_72 : vector<16xi32>
    %swap3A_74 = arith.constant 64 : index
    %swap3A_75 = tpu.vector_load %arg6[%swap3A_74] {strides = array<i32>} : memref<80xi32, #tpu.memory_space<vmem>>, vector<16xi32>,
    %swap3A_76 = vector.shape_cast %swap3A_75 : vector<16xi32> to vector<16xi32>
    %swap3A_77 = vector.shape_cast %add3A_73 : vector<16xi32> to vector<16xi32>
    tpu.vector_store %arg6[%swap3A_74], %swap3A_77 {strides = array<i32>} : memref<80xi32, #tpu.memory_space<vmem>>, vector<16xi32>,
    %dma_start3A = arith.constant 0 : i32
    %dma_start3A_78 = arith.constant 0 : i32
    %dma_start3A_79 = tpu.memref_slice %arg3[%dma_start3A, %dma_start3A_78] : memref<5000x128xi32, #tpu.memory_space<hbm>> -> memref<5000x128xi32, #tpu.memory_space<hbm>>
    tpu.enqueue_indirect_dma source(%dma_start3A_79 : memref<5000x128xi32, #tpu.memory_space<hbm>>) target(%arg7 : memref<80x128xi32, #tpu.memory_space<vmem>>) offsets(%arg6 : memref<80xi32, #tpu.memory_space<vmem>>) semaphore(%arg13 : memref<!tpu.dma_semaphore, #tpu.memory_space<semaphore_mem>>)
    %dma_start3A_80 = arith.constant 0 : i32
    %dma_start3A_81 = tpu.memref_slice %arg3[%add3A_10, %dma_start3A_80] : memref<5000x128xi32, #tpu.memory_space<hbm>> -> memref<1x128xi32, #tpu.memory_space<hbm>>
    %dma_start3A_82 = tpu.memref_squeeze %dma_start3A_81 : memref<1x128xi32, #tpu.memory_space<hbm>> -> memref<128xi32, #tpu.memory_space<hbm>>
    %dma_start3A_83 = arith.constant 0 : i32
    %dma_start3A_84 = tpu.memref_slice %arg3[%add3A_10, %dma_start3A_83] : memref<5000x128xi32, #tpu.memory_space<hbm>> -> memref<1x128xi32, #tpu.memory_space<hbm>>
    %dma_start3A_85 = tpu.memref_squeeze %dma_start3A_84 : memref<1x128xi32, #tpu.memory_space<hbm>> -> memref<128xi32, #tpu.memory_space<hbm>>
    tpu.enqueue_dma source(%dma_start3A_85 : memref<128xi32, #tpu.memory_space<hbm>>) target(%arg8 : memref<128xi32, #tpu.memory_space<vmem>>) target_semaphore(%arg14 : memref<!tpu.dma_semaphore, #tpu.memory_space<semaphore_mem>>)
    %add3A_86 = arith.constant 1 : i32
    %add3A_87 = arith.addi %add3A_10, %add3A_86 : i32
    %dma_start3A_88 = arith.constant 0 : i32
    %dma_start3A_89 = tpu.memref_slice %arg3[%add3A_87, %dma_start3A_88] : memref<5000x128xi32, #tpu.memory_space<hbm>> -> memref<1x128xi32, #tpu.memory_space<hbm>>
    %dma_start3A_90 = tpu.memref_squeeze %dma_start3A_89 : memref<1x128xi32, #tpu.memory_space<hbm>> -> memref<128xi32, #tpu.memory_space<hbm>>
    %dma_start3A_91 = arith.constant 0 : i32
    %dma_start3A_92 = tpu.memref_slice %arg3[%add3A_87, %dma_start3A_91] : memref<5000x128xi32, #tpu.memory_space<hbm>> -> memref<1x128xi32, #tpu.memory_space<hbm>>
    %dma_start3A_93 = tpu.memref_squeeze %dma_start3A_92 : memref<1x128xi32, #tpu.memory_space<hbm>> -> memref<128xi32, #tpu.memory_space<hbm>>
    tpu.enqueue_dma source(%dma_start3A_93 : memref<128xi32, #tpu.memory_space<hbm>>) target(%arg9 : memref<128xi32, #tpu.memory_space<vmem>>) target_semaphore(%arg15 : memref<!tpu.dma_semaphore, #tpu.memory_space<semaphore_mem>>)
    %mul3A_94 = arith.constant 632 : i32
    %mul3A_95 = arith.muli %arg1, %mul3A_94 : i32
    %add3A_96 = arith.constant 0 : i32
    %add3A_97 = arith.addi %mul3A_95, %add3A_96 : i32
    "tpu.region"() ({
      %run_scoped3A = tpu.sem_alloc : memref<!tpu.dma_semaphore, #tpu.memory_space<semaphore_mem>>
      %dma_start3A_155 = arith.constant 0 : i32
      %dma_start3A_156 = tpu.memref_slice %arg12[%add3A_97, %dma_start3A_155] : memref<10112x128xf32, #tpu.memory_space<vmem_shared>> -> memref<128x128xf32, #tpu.memory_space<vmem_shared>>
      tpu.enqueue_dma source(%arg4 : memref<128x128xf32, #tpu.memory_space<hbm>>) target(%dma_start3A_156 : memref<128x128xf32, #tpu.memory_space<vmem_shared>>) target_semaphore(%run_scoped3A : memref<!tpu.dma_semaphore, #tpu.memory_space<semaphore_mem>>)
      %dma_wait3A_157 = arith.constant 0 : i32
      %dma_wait3A_158 = tpu.memref_slice %arg12[%add3A_97, %dma_wait3A_157] : memref<10112x128xf32, #tpu.memory_space<vmem_shared>> -> memref<128x128xf32, #tpu.memory_space<vmem_shared>>
      tpu.wait_dma2 semaphore(%run_scoped3A : memref<!tpu.dma_semaphore, #tpu.memory_space<semaphore_mem>>) src(%arg4 : memref<128x128xf32, #tpu.memory_space<hbm>>) dst(%dma_wait3A_158 : memref<128x128xf32, #tpu.memory_space<vmem_shared>>)
      tpu.yield
    }) : () -> ()
    %mul3A_98 = arith.constant 632 : i32
    %mul3A_99 = arith.muli %arg1, %mul3A_98 : i32
    %add3A_100 = arith.constant 128 : i32
    %add3A_101 = arith.addi %mul3A_99, %add3A_100 : i32
    "tpu.region"() ({
      %run_scoped3A = tpu.sem_alloc : memref<!tpu.dma_semaphore, #tpu.memory_space<semaphore_mem>>
      %dma_start3A_155 = arith.constant 0 : i32
      %dma_start3A_156 = tpu.memref_slice %arg12[%add3A_101, %dma_start3A_155] : memref<10112x128xf32, #tpu.memory_space<vmem_shared>> -> memref<128x128xf32, #tpu.memory_space<vmem_shared>>
      tpu.enqueue_dma source(%arg4 : memref<128x128xf32, #tpu.memory_space<hbm>>) target(%dma_start3A_156 : memref<128x128xf32, #tpu.memory_space<vmem_shared>>) target_semaphore(%run_scoped3A : memref<!tpu.dma_semaphore, #tpu.memory_space<semaphore_mem>>)
      %dma_wait3A_157 = arith.constant 0 : i32
      %dma_wait3A_158 = tpu.memref_slice %arg12[%add3A_101, %dma_wait3A_157] : memref<10112x128xf32, #tpu.memory_space<vmem_shared>> -> memref<128x128xf32, #tpu.memory_space<vmem_shared>>
      tpu.wait_dma2 semaphore(%run_scoped3A : memref<!tpu.dma_semaphore, #tpu.memory_space<semaphore_mem>>) src(%arg4 : memref<128x128xf32, #tpu.memory_space<hbm>>) dst(%dma_wait3A_158 : memref<128x128xf32, #tpu.memory_space<vmem_shared>>)
      tpu.yield
    }) : () -> ()
    %mul3A_102 = arith.constant 632 : i32
    %mul3A_103 = arith.muli %arg1, %mul3A_102 : i32
    %add3A_104 = arith.constant 256 : i32
    %add3A_105 = arith.addi %mul3A_103, %add3A_104 : i32
    "tpu.region"() ({
      %run_scoped3A = tpu.sem_alloc : memref<!tpu.dma_semaphore, #tpu.memory_space<semaphore_mem>>
      %dma_start3A_155 = arith.constant 0 : i32
      %dma_start3A_156 = tpu.memref_slice %arg12[%add3A_105, %dma_start3A_155] : memref<10112x128xf32, #tpu.memory_space<vmem_shared>> -> memref<128x128xf32, #tpu.memory_space<vmem_shared>>
      tpu.enqueue_dma source(%arg4 : memref<128x128xf32, #tpu.memory_space<hbm>>) target(%dma_start3A_156 : memref<128x128xf32, #tpu.memory_space<vmem_shared>>) target_semaphore(%run_scoped3A : memref<!tpu.dma_semaphore, #tpu.memory_space<semaphore_mem>>)
      %dma_wait3A_157 = arith.constant 0 : i32
      %dma_wait3A_158 = tpu.memref_slice %arg12[%add3A_105, %dma_wait3A_157] : memref<10112x128xf32, #tpu.memory_space<vmem_shared>> -> memref<128x128xf32, #tpu.memory_space<vmem_shared>>
      tpu.wait_dma2 semaphore(%run_scoped3A : memref<!tpu.dma_semaphore, #tpu.memory_space<semaphore_mem>>) src(%arg4 : memref<128x128xf32, #tpu.memory_space<hbm>>) dst(%dma_wait3A_158 : memref<128x128xf32, #tpu.memory_space<vmem_shared>>)
      tpu.yield
    }) : () -> ()
    %mul3A_106 = arith.constant 632 : i32
    %mul3A_107 = arith.muli %arg1, %mul3A_106 : i32
    %add3A_108 = arith.constant 384 : i32
    %add3A_109 = arith.addi %mul3A_107, %add3A_108 : i32
    "tpu.region"() ({
      %run_scoped3A = tpu.sem_alloc : memref<!tpu.dma_semaphore, #tpu.memory_space<semaphore_mem>>
      %dma_start3A_155 = arith.constant 0 : i32
      %dma_start3A_156 = tpu.memref_slice %arg12[%add3A_109, %dma_start3A_155] : memref<10112x128xf32, #tpu.memory_space<vmem_shared>> -> memref<128x128xf32, #tpu.memory_space<vmem_shared>>
      tpu.enqueue_dma source(%arg4 : memref<128x128xf32, #tpu.memory_space<hbm>>) target(%dma_start3A_156 : memref<128x128xf32, #tpu.memory_space<vmem_shared>>) target_semaphore(%run_scoped3A : memref<!tpu.dma_semaphore, #tpu.memory_space<semaphore_mem>>)
      %dma_wait3A_157 = arith.constant 0 : i32
      %dma_wait3A_158 = tpu.memref_slice %arg12[%add3A_109, %dma_wait3A_157] : memref<10112x128xf32, #tpu.memory_space<vmem_shared>> -> memref<128x128xf32, #tpu.memory_space<vmem_shared>>
      tpu.wait_dma2 semaphore(%run_scoped3A : memref<!tpu.dma_semaphore, #tpu.memory_space<semaphore_mem>>) src(%arg4 : memref<128x128xf32, #tpu.memory_space<hbm>>) dst(%dma_wait3A_158 : memref<128x128xf32, #tpu.memory_space<vmem_shared>>)
      tpu.yield
    }) : () -> ()
    %mul3A_110 = arith.constant 632 : i32
    %mul3A_111 = arith.muli %arg1, %mul3A_110 : i32
    %add3A_112 = arith.constant 512 : i32
    %add3A_113 = arith.addi %mul3A_111, %add3A_112 : i32
    "tpu.region"() ({
      %run_scoped3A = tpu.sem_alloc : memref<!tpu.dma_semaphore, #tpu.memory_space<semaphore_mem>>
      %dma_start3A_155 = arith.constant 0 : i32
      %dma_start3A_156 = tpu.memref_slice %arg12[%add3A_113, %dma_start3A_155] : memref<10112x128xf32, #tpu.memory_space<vmem_shared>> -> memref<120x128xf32, #tpu.memory_space<vmem_shared>>
      %dma_start3A_157 = arith.constant 0 : i32
      %dma_start3A_158 = arith.constant 0 : i32
      %dma_start3A_159 = tpu.memref_slice %arg4[%dma_start3A_157, %dma_start3A_158] : memref<128x128xf32, #tpu.memory_space<hbm>> -> memref<120x128xf32, #tpu.memory_space<hbm>>
      tpu.enqueue_dma source(%dma_start3A_159 : memref<120x128xf32, #tpu.memory_space<hbm>>) target(%dma_start3A_156 : memref<120x128xf32, #tpu.memory_space<vmem_shared>>) target_semaphore(%run_scoped3A : memref<!tpu.dma_semaphore, #tpu.memory_space<semaphore_mem>>)
      %dma_wait3A_160 = arith.constant 0 : i32
      %dma_wait3A_161 = tpu.memref_slice %arg12[%add3A_113, %dma_wait3A_160] : memref<10112x128xf32, #tpu.memory_space<vmem_shared>> -> memref<120x128xf32, #tpu.memory_space<vmem_shared>>
      %dma_wait3A_162 = arith.constant 0 : i32
      %dma_wait3A_163 = arith.constant 0 : i32
      %dma_wait3A_164 = tpu.memref_slice %arg4[%dma_wait3A_162, %dma_wait3A_163] : memref<128x128xf32, #tpu.memory_space<hbm>> -> memref<120x128xf32, #tpu.memory_space<hbm>>
      tpu.wait_dma2 semaphore(%run_scoped3A : memref<!tpu.dma_semaphore, #tpu.memory_space<semaphore_mem>>) src(%dma_wait3A_164 : memref<120x128xf32, #tpu.memory_space<hbm>>) dst(%dma_wait3A_161 : memref<120x128xf32, #tpu.memory_space<vmem_shared>>)
      tpu.yield
    }) : () -> ()
    %dma_wait3A = arith.constant 0 : i32
    %dma_wait3A_114 = arith.constant 0 : i32
    %dma_wait3A_115 = tpu.memref_slice %arg3[%dma_wait3A, %dma_wait3A_114] : memref<5000x128xi32, #tpu.memory_space<hbm>> -> memref<5000x128xi32, #tpu.memory_space<hbm>>
    tpu.wait_indirect_dma semaphore(%arg13 : memref<!tpu.dma_semaphore, #tpu.memory_space<semaphore_mem>>) src(%dma_wait3A_115 : memref<5000x128xi32, #tpu.memory_space<hbm>>) dst(%arg7 : memref<80x128xi32, #tpu.memory_space<vmem>>)
    %dma_start3A_116 = arith.constant 0 : i32
    %dma_start3A_117 = arith.constant 0 : i32
    %dma_start3A_118 = tpu.memref_slice %arg7[%dma_start3A_116, %dma_start3A_117] : memref<80x128xi32, #tpu.memory_space<vmem>> -> memref<1x128xi32, #tpu.memory_space<vmem>>
    %dma_start3A_119 = tpu.memref_squeeze %dma_start3A_118 : memref<1x128xi32, #tpu.memory_space<vmem>> -> memref<128xi32, #tpu.memory_space<vmem>>
    %dma_start3A_120 = arith.constant 0 : i32
    %dma_start3A_121 = arith.constant 0 : i32
    %dma_start3A_122 = tpu.memref_slice %arg2[%dma_start3A_120, %dma_start3A_121] : memref<10240x128xf32, #tpu.memory_space<hbm>> -> memref<10240x128xf32, #tpu.memory_space<hbm>>
    tpu.enqueue_indirect_dma source(%dma_start3A_122 : memref<10240x128xf32, #tpu.memory_space<hbm>>) target(%arg10 : memref<128x128xf32, #tpu.memory_space<vmem>>) offsets(%dma_start3A_119 : memref<128xi32, #tpu.memory_space<vmem>>) semaphore(%arg16 : memref<!tpu.dma_semaphore, #tpu.memory_space<semaphore_mem>>)
    %dma_start3A_123 = arith.constant 1 : i32
    %dma_start3A_124 = arith.constant 0 : i32
    %dma_start3A_125 = tpu.memref_slice %arg7[%dma_start3A_123, %dma_start3A_124] : memref<80x128xi32, #tpu.memory_space<vmem>> -> memref<1x128xi32, #tpu.memory_space<vmem>>
    %dma_start3A_126 = tpu.memref_squeeze %dma_start3A_125 : memref<1x128xi32, #tpu.memory_space<vmem>> -> memref<128xi32, #tpu.memory_space<vmem>>
    %dma_start3A_127 = arith.constant 0 : i32
    %dma_start3A_128 = arith.constant 0 : i32
    %dma_start3A_129 = tpu.memref_slice %arg2[%dma_start3A_127, %dma_start3A_128] : memref<10240x128xf32, #tpu.memory_space<hbm>> -> memref<10240x128xf32, #tpu.memory_space<hbm>>
    tpu.enqueue_indirect_dma source(%dma_start3A_129 : memref<10240x128xf32, #tpu.memory_space<hbm>>) target(%arg11 : memref<128x128xf32, #tpu.memory_space<vmem>>) offsets(%dma_start3A_126 : memref<128xi32, #tpu.memory_space<vmem>>) semaphore(%arg17 : memref<!tpu.dma_semaphore, #tpu.memory_space<semaphore_mem>>)
    %barrier3A = arith.constant 0 : index
    tpu.barrier barrier_id(%barrier3A)
    %scan3A = arith.constant 0 : i32
    %scan3A_130 = arith.constant 0 : i32
    %scan3A_131 = arith.constant 39 : i32
    %scan3A_132 = arith.addi %scan3A_130, %scan3A_131 : i32
    %scan3A_133 = arith.constant 1 : i32
    scf.for %scan3A_155 = %scan3A_130 to %scan3A_132 step %scan3A_133  : i32 {
      %mul3A_156 = arith.constant 2 : i32
      %mul3A_157 = arith.muli %scan3A_155, %mul3A_156 : i32
      %add3A_158 = arith.constant 2 : i32
      %add3A_159 = arith.addi %mul3A_157, %add3A_158 : i32
      %sub3A_160 = arith.constant 1 : i32
      %sub3A_161 = arith.subi %add3A_4, %sub3A_160 : i32
      %min3A_162 = arith.minsi %add3A_159, %sub3A_161 : i32
      %add3A_163 = arith.constant 3 : i32
      %add3A_164 = arith.addi %mul3A_157, %add3A_163 : i32
      %sub3A_165 = arith.constant 1 : i32
      %sub3A_166 = arith.subi %add3A_4, %sub3A_165 : i32
      %min3A_167 = arith.minsi %add3A_164, %sub3A_166 : i32
      tpu.wait_dma2 semaphore(%arg16 : memref<!tpu.dma_semaphore, #tpu.memory_space<semaphore_mem>>) src(%arg4 : memref<128x128xf32, #tpu.memory_space<hbm>>) dst(%arg10 : memref<128x128xf32, #tpu.memory_space<vmem>>)
      %dma_wait3A_168 = arith.constant 0 : i32
      %dma_wait3A_169 = tpu.memref_slice %arg3[%add3A_10, %dma_wait3A_168] : memref<5000x128xi32, #tpu.memory_space<hbm>> -> memref<1x128xi32, #tpu.memory_space<hbm>>
      %dma_wait3A_170 = tpu.memref_squeeze %dma_wait3A_169 : memref<1x128xi32, #tpu.memory_space<hbm>> -> memref<128xi32, #tpu.memory_space<hbm>>
      %dma_wait3A_171 = arith.constant 0 : i32
      %dma_wait3A_172 = tpu.memref_slice %arg3[%add3A_10, %dma_wait3A_171] : memref<5000x128xi32, #tpu.memory_space<hbm>> -> memref<1x128xi32, #tpu.memory_space<hbm>>
      %dma_wait3A_173 = tpu.memref_squeeze %dma_wait3A_172 : memref<1x128xi32, #tpu.memory_space<hbm>> -> memref<128xi32, #tpu.memory_space<hbm>>
      tpu.wait_dma2 semaphore(%arg14 : memref<!tpu.dma_semaphore, #tpu.memory_space<semaphore_mem>>) src(%dma_wait3A_173 : memref<128xi32, #tpu.memory_space<hbm>>) dst(%arg8 : memref<128xi32, #tpu.memory_space<vmem>>)
      "tpu.region"() ({
        %run_scoped3A = tpu.sem_alloc : memref<!tpu.dma_semaphore, #tpu.memory_space<semaphore_mem>>
        %dma_start3A_206 = arith.constant 0 : i32
        %dma_start3A_207 = arith.constant 0 : i32
        %dma_start3A_208 = tpu.memref_slice %arg12[%dma_start3A_206, %dma_start3A_207] : memref<10112x128xf32, #tpu.memory_space<vmem_shared>> -> memref<10112x128xf32, #tpu.memory_space<vmem_shared>>
        tpu.enqueue_indirect_dma source(%arg10 : memref<128x128xf32, #tpu.memory_space<vmem>>) target(%dma_start3A_208 : memref<10112x128xf32, #tpu.memory_space<vmem_shared>>) offsets(%arg8 : memref<128xi32, #tpu.memory_space<vmem>>) semaphore(%run_scoped3A : memref<!tpu.dma_semaphore, #tpu.memory_space<semaphore_mem>>) {add = true}
        %dma_wait3A_209 = arith.constant 0 : i32
        %dma_wait3A_210 = arith.constant 0 : i32
        %dma_wait3A_211 = tpu.memref_slice %arg12[%dma_wait3A_209, %dma_wait3A_210] : memref<10112x128xf32, #tpu.memory_space<vmem_shared>> -> memref<10112x128xf32, #tpu.memory_space<vmem_shared>>
        tpu.wait_indirect_dma semaphore(%run_scoped3A : memref<!tpu.dma_semaphore, #tpu.memory_space<semaphore_mem>>) src(%arg10 : memref<128x128xf32, #tpu.memory_space<vmem>>) dst(%dma_wait3A_211 : memref<10112x128xf32, #tpu.memory_space<vmem_shared>>)
        tpu.yield
      }) : () -> ()
      %add3A_174 = arith.addi %add3A_10, %min3A_162 : i32
      %dma_start3A_175 = arith.constant 0 : i32
      %dma_start3A_176 = tpu.memref_slice %arg3[%add3A_174, %dma_start3A_175] : memref<5000x128xi32, #tpu.memory_space<hbm>> -> memref<1x128xi32, #tpu.memory_space<hbm>>
      %dma_start3A_177 = tpu.memref_squeeze %dma_start3A_176 : memref<1x128xi32, #tpu.memory_space<hbm>> -> memref<128xi32, #tpu.memory_space<hbm>>
      %dma_start3A_178 = arith.constant 0 : i32
      %dma_start3A_179 = tpu.memref_slice %arg3[%add3A_174, %dma_start3A_178] : memref<5000x128xi32, #tpu.memory_space<hbm>> -> memref<1x128xi32, #tpu.memory_space<hbm>>
      %dma_start3A_180 = tpu.memref_squeeze %dma_start3A_179 : memref<1x128xi32, #tpu.memory_space<hbm>> -> memref<128xi32, #tpu.memory_space<hbm>>
      tpu.enqueue_dma source(%dma_start3A_180 : memref<128xi32, #tpu.memory_space<hbm>>) target(%arg8 : memref<128xi32, #tpu.memory_space<vmem>>) target_semaphore(%arg14 : memref<!tpu.dma_semaphore, #tpu.memory_space<semaphore_mem>>)
      %dma_start3A_181 = arith.constant 0 : i32
      %dma_start3A_182 = tpu.memref_slice %arg7[%min3A_162, %dma_start3A_181] : memref<80x128xi32, #tpu.memory_space<vmem>> -> memref<1x128xi32, #tpu.memory_space<vmem>>
      %dma_start3A_183 = tpu.memref_squeeze %dma_start3A_182 : memref<1x128xi32, #tpu.memory_space<vmem>> -> memref<128xi32, #tpu.memory_space<vmem>>
      %dma_start3A_184 = arith.constant 0 : i32
      %dma_start3A_185 = arith.constant 0 : i32
      %dma_start3A_186 = tpu.memref_slice %arg2[%dma_start3A_184, %dma_start3A_185] : memref<10240x128xf32, #tpu.memory_space<hbm>> -> memref<10240x128xf32, #tpu.memory_space<hbm>>
      tpu.enqueue_indirect_dma source(%dma_start3A_186 : memref<10240x128xf32, #tpu.memory_space<hbm>>) target(%arg10 : memref<128x128xf32, #tpu.memory_space<vmem>>) offsets(%dma_start3A_183 : memref<128xi32, #tpu.memory_space<vmem>>) semaphore(%arg16 : memref<!tpu.dma_semaphore, #tpu.memory_space<semaphore_mem>>)
      tpu.wait_dma2 semaphore(%arg17 : memref<!tpu.dma_semaphore, #tpu.memory_space<semaphore_mem>>) src(%arg4 : memref<128x128xf32, #tpu.memory_space<hbm>>) dst(%arg11 : memref<128x128xf32, #tpu.memory_space<vmem>>)
      %dma_wait3A_187 = arith.constant 0 : i32
      %dma_wait3A_188 = tpu.memref_slice %arg3[%add3A_10, %dma_wait3A_187] : memref<5000x128xi32, #tpu.memory_space<hbm>> -> memref<1x128xi32, #tpu.memory_space<hbm>>
      %dma_wait3A_189 = tpu.memref_squeeze %dma_wait3A_188 : memref<1x128xi32, #tpu.memory_space<hbm>> -> memref<128xi32, #tpu.memory_space<hbm>>
      %dma_wait3A_190 = arith.constant 0 : i32
      %dma_wait3A_191 = tpu.memref_slice %arg3[%add3A_10, %dma_wait3A_190] : memref<5000x128xi32, #tpu.memory_space<hbm>> -> memref<1x128xi32, #tpu.memory_space<hbm>>
      %dma_wait3A_192 = tpu.memref_squeeze %dma_wait3A_191 : memref<1x128xi32, #tpu.memory_space<hbm>> -> memref<128xi32, #tpu.memory_space<hbm>>
      tpu.wait_dma2 semaphore(%arg15 : memref<!tpu.dma_semaphore, #tpu.memory_space<semaphore_mem>>) src(%dma_wait3A_192 : memref<128xi32, #tpu.memory_space<hbm>>) dst(%arg9 : memref<128xi32, #tpu.memory_space<vmem>>)
      "tpu.region"() ({
        %run_scoped3A = tpu.sem_alloc : memref<!tpu.dma_semaphore, #tpu.memory_space<semaphore_mem>>
        %dma_start3A_206 = arith.constant 0 : i32
        %dma_start3A_207 = arith.constant 0 : i32
        %dma_start3A_208 = tpu.memref_slice %arg12[%dma_start3A_206, %dma_start3A_207] : memref<10112x128xf32, #tpu.memory_space<vmem_shared>> -> memref<10112x128xf32, #tpu.memory_space<vmem_shared>>
        tpu.enqueue_indirect_dma source(%arg11 : memref<128x128xf32, #tpu.memory_space<vmem>>) target(%dma_start3A_208 : memref<10112x128xf32, #tpu.memory_space<vmem_shared>>) offsets(%arg9 : memref<128xi32, #tpu.memory_space<vmem>>) semaphore(%run_scoped3A : memref<!tpu.dma_semaphore, #tpu.memory_space<semaphore_mem>>) {add = true}
        %dma_wait3A_209 = arith.constant 0 : i32
        %dma_wait3A_210 = arith.constant 0 : i32
        %dma_wait3A_211 = tpu.memref_slice %arg12[%dma_wait3A_209, %dma_wait3A_210] : memref<10112x128xf32, #tpu.memory_space<vmem_shared>> -> memref<10112x128xf32, #tpu.memory_space<vmem_shared>>
        tpu.wait_indirect_dma semaphore(%run_scoped3A : memref<!tpu.dma_semaphore, #tpu.memory_space<semaphore_mem>>) src(%arg11 : memref<128x128xf32, #tpu.memory_space<vmem>>) dst(%dma_wait3A_211 : memref<10112x128xf32, #tpu.memory_space<vmem_shared>>)
        tpu.yield
      }) : () -> ()
      %add3A_193 = arith.addi %add3A_10, %min3A_167 : i32
      %dma_start3A_194 = arith.constant 0 : i32
      %dma_start3A_195 = tpu.memref_slice %arg3[%add3A_193, %dma_start3A_194] : memref<5000x128xi32, #tpu.memory_space<hbm>> -> memref<1x128xi32, #tpu.memory_space<hbm>>
      %dma_start3A_196 = tpu.memref_squeeze %dma_start3A_195 : memref<1x128xi32, #tpu.memory_space<hbm>> -> memref<128xi32, #tpu.memory_space<hbm>>
      %dma_start3A_197 = arith.constant 0 : i32
      %dma_start3A_198 = tpu.memref_slice %arg3[%add3A_193, %dma_start3A_197] : memref<5000x128xi32, #tpu.memory_space<hbm>> -> memref<1x128xi32, #tpu.memory_space<hbm>>
      %dma_start3A_199 = tpu.memref_squeeze %dma_start3A_198 : memref<1x128xi32, #tpu.memory_space<hbm>> -> memref<128xi32, #tpu.memory_space<hbm>>
      tpu.enqueue_dma source(%dma_start3A_199 : memref<128xi32, #tpu.memory_space<hbm>>) target(%arg9 : memref<128xi32, #tpu.memory_space<vmem>>) target_semaphore(%arg15 : memref<!tpu.dma_semaphore, #tpu.memory_space<semaphore_mem>>)
      %dma_start3A_200 = arith.constant 0 : i32
      %dma_start3A_201 = tpu.memref_slice %arg7[%min3A_167, %dma_start3A_200] : memref<80x128xi32, #tpu.memory_space<vmem>> -> memref<1x128xi32, #tpu.memory_space<vmem>>
      %dma_start3A_202 = tpu.memref_squeeze %dma_start3A_201 : memref<1x128xi32, #tpu.memory_space<vmem>> -> memref<128xi32, #tpu.memory_space<vmem>>
      %dma_start3A_203 = arith.constant 0 : i32
      %dma_start3A_204 = arith.constant 0 : i32
      %dma_start3A_205 = tpu.memref_slice %arg2[%dma_start3A_203, %dma_start3A_204] : memref<10240x128xf32, #tpu.memory_space<hbm>> -> memref<10240x128xf32, #tpu.memory_space<hbm>>
      tpu.enqueue_indirect_dma source(%dma_start3A_205 : memref<10240x128xf32, #tpu.memory_space<hbm>>) target(%arg11 : memref<128x128xf32, #tpu.memory_space<vmem>>) offsets(%dma_start3A_202 : memref<128xi32, #tpu.memory_space<vmem>>) semaphore(%arg17 : memref<!tpu.dma_semaphore, #tpu.memory_space<semaphore_mem>>)
    }
    %scan3A_134 = arith.constant 39 : i32
    tpu.wait_dma2 semaphore(%arg16 : memref<!tpu.dma_semaphore, #tpu.memory_space<semaphore_mem>>) src(%arg4 : memref<128x128xf32, #tpu.memory_space<hbm>>) dst(%arg10 : memref<128x128xf32, #tpu.memory_space<vmem>>)
    %dma_wait3A_135 = arith.constant 0 : i32
    %dma_wait3A_136 = tpu.memref_slice %arg3[%add3A_10, %dma_wait3A_135] : memref<5000x128xi32, #tpu.memory_space<hbm>> -> memref<1x128xi32, #tpu.memory_space<hbm>>
    %dma_wait3A_137 = tpu.memref_squeeze %dma_wait3A_136 : memref<1x128xi32, #tpu.memory_space<hbm>> -> memref<128xi32, #tpu.memory_space<hbm>>
    %dma_wait3A_138 = arith.constant 0 : i32
    %dma_wait3A_139 = tpu.memref_slice %arg3[%add3A_10, %dma_wait3A_138] : memref<5000x128xi32, #tpu.memory_space<hbm>> -> memref<1x128xi32, #tpu.memory_space<hbm>>
    %dma_wait3A_140 = tpu.memref_squeeze %dma_wait3A_139 : memref<1x128xi32, #tpu.memory_space<hbm>> -> memref<128xi32, #tpu.memory_space<hbm>>
    tpu.wait_dma2 semaphore(%arg14 : memref<!tpu.dma_semaphore, #tpu.memory_space<semaphore_mem>>) src(%dma_wait3A_140 : memref<128xi32, #tpu.memory_space<hbm>>) dst(%arg8 : memref<128xi32, #tpu.memory_space<vmem>>)
    %lt3A_141 = arith.constant 4 : i32
    %lt3A_142 = arith.cmpi slt, %add3A, %lt3A_141 : i32
    %convert_element_type3A = arith.extui %lt3A_142 : i1 to i32
    %cond3A = arith.constant 0 : i32
    %cond3A_143 = arith.cmpi ne, %convert_element_type3A, %cond3A : i32
    scf.if %cond3A_143 {
      "tpu.region"() ({
        %run_scoped3A = tpu.sem_alloc : memref<!tpu.dma_semaphore, #tpu.memory_space<semaphore_mem>>
        %dma_start3A_155 = arith.constant 0 : i32
        %dma_start3A_156 = arith.constant 0 : i32
        %dma_start3A_157 = tpu.memref_slice %arg12[%dma_start3A_155, %dma_start3A_156] : memref<10112x128xf32, #tpu.memory_space<vmem_shared>> -> memref<10112x128xf32, #tpu.memory_space<vmem_shared>>
        tpu.enqueue_indirect_dma source(%arg10 : memref<128x128xf32, #tpu.memory_space<vmem>>) target(%dma_start3A_157 : memref<10112x128xf32, #tpu.memory_space<vmem_shared>>) offsets(%arg8 : memref<128xi32, #tpu.memory_space<vmem>>) semaphore(%run_scoped3A : memref<!tpu.dma_semaphore, #tpu.memory_space<semaphore_mem>>) {add = true}
        %dma_wait3A_158 = arith.constant 0 : i32
        %dma_wait3A_159 = arith.constant 0 : i32
        %dma_wait3A_160 = tpu.memref_slice %arg12[%dma_wait3A_158, %dma_wait3A_159] : memref<10112x128xf32, #tpu.memory_space<vmem_shared>> -> memref<10112x128xf32, #tpu.memory_space<vmem_shared>>
        tpu.wait_indirect_dma semaphore(%run_scoped3A : memref<!tpu.dma_semaphore, #tpu.memory_space<semaphore_mem>>) src(%arg10 : memref<128x128xf32, #tpu.memory_space<vmem>>) dst(%dma_wait3A_160 : memref<10112x128xf32, #tpu.memory_space<vmem_shared>>)
        tpu.yield
      }) : () -> ()
    } else {
    }
    tpu.wait_dma2 semaphore(%arg17 : memref<!tpu.dma_semaphore, #tpu.memory_space<semaphore_mem>>) src(%arg4 : memref<128x128xf32, #tpu.memory_space<hbm>>) dst(%arg11 : memref<128x128xf32, #tpu.memory_space<vmem>>)
    %dma_wait3A_144 = arith.constant 0 : i32
    %dma_wait3A_145 = tpu.memref_slice %arg3[%add3A_10, %dma_wait3A_144] : memref<5000x128xi32, #tpu.memory_space<hbm>> -> memref<1x128xi32, #tpu.memory_space<hbm>>
    %dma_wait3A_146 = tpu.memref_squeeze %dma_wait3A_145 : memref<1x128xi32, #tpu.memory_space<hbm>> -> memref<128xi32, #tpu.memory_space<hbm>>
    %dma_wait3A_147 = arith.constant 0 : i32
    %dma_wait3A_148 = tpu.memref_slice %arg3[%add3A_10, %dma_wait3A_147] : memref<5000x128xi32, #tpu.memory_space<hbm>> -> memref<1x128xi32, #tpu.memory_space<hbm>>
    %dma_wait3A_149 = tpu.memref_squeeze %dma_wait3A_148 : memref<1x128xi32, #tpu.memory_space<hbm>> -> memref<128xi32, #tpu.memory_space<hbm>>
    tpu.wait_dma2 semaphore(%arg15 : memref<!tpu.dma_semaphore, #tpu.memory_space<semaphore_mem>>) src(%dma_wait3A_149 : memref<128xi32, #tpu.memory_space<hbm>>) dst(%arg9 : memref<128xi32, #tpu.memory_space<vmem>>)
    %barrier3A_150 = arith.constant 0 : index
    tpu.barrier barrier_id(%barrier3A_150)
    %mul3A_151 = arith.constant 632 : i32
    %mul3A_152 = arith.muli %arg1, %mul3A_151 : i32
    %mul3A_153 = arith.constant 632 : i32
    %mul3A_154 = arith.muli %arg1, %mul3A_153 : i32
    "tpu.region"() ({
      %run_scoped3A = tpu.sem_alloc : memref<!tpu.dma_semaphore, #tpu.memory_space<semaphore_mem>>
      %dma_start3A_155 = arith.constant 0 : i32
      %dma_start3A_156 = tpu.memref_slice %arg5[%arg0, %mul3A_154, %dma_start3A_155] : memref<2x10112x128xf32, #tpu.memory_space<hbm>> -> memref<1x632x128xf32, #tpu.memory_space<hbm>>
      %dma_start3A_157 = tpu.memref_squeeze %dma_start3A_156 : memref<1x632x128xf32, #tpu.memory_space<hbm>> -> memref<632x128xf32, #tpu.memory_space<hbm>>
      %dma_start3A_158 = arith.constant 0 : i32
      %dma_start3A_159 = tpu.memref_slice %arg12[%mul3A_152, %dma_start3A_158] : memref<10112x128xf32, #tpu.memory_space<vmem_shared>> -> memref<632x128xf32, #tpu.memory_space<vmem_shared>>
      tpu.enqueue_dma source(%dma_start3A_159 : memref<632x128xf32, #tpu.memory_space<vmem_shared>>) target(%dma_start3A_157 : memref<632x128xf32, #tpu.memory_space<hbm>>) target_semaphore(%run_scoped3A : memref<!tpu.dma_semaphore, #tpu.memory_space<semaphore_mem>>)
      %dma_wait3A_160 = arith.constant 0 : i32
      %dma_wait3A_161 = tpu.memref_slice %arg5[%arg0, %mul3A_154, %dma_wait3A_160] : memref<2x10112x128xf32, #tpu.memory_space<hbm>> -> memref<1x632x128xf32, #tpu.memory_space<hbm>>
      %dma_wait3A_162 = tpu.memref_squeeze %dma_wait3A_161 : memref<1x632x128xf32, #tpu.memory_space<hbm>> -> memref<632x128xf32, #tpu.memory_space<hbm>>
      %dma_wait3A_163 = arith.constant 0 : i32
      %dma_wait3A_164 = tpu.memref_slice %arg12[%mul3A_152, %dma_wait3A_163] : memref<10112x128xf32, #tpu.memory_space<vmem_shared>> -> memref<632x128xf32, #tpu.memory_space<vmem_shared>>
      tpu.wait_dma2 semaphore(%run_scoped3A : memref<!tpu.dma_semaphore, #tpu.memory_space<semaphore_mem>>) src(%dma_wait3A_164 : memref<632x128xf32, #tpu.memory_space<vmem_shared>>) dst(%dma_wait3A_162 : memref<632x128xf32, #tpu.memory_space<hbm>>)
      tpu.yield
    }) : () -> ()
    return
  }
}

module attributes {stable_mosaic.version = 14 : i64} {
  func.func @_mm_scale_body(%arg0: i32, %arg1: memref<1024x128xf32, #tpu.memory_space<vmem>>, %arg2: memref<128x128xf32, #tpu.memory_space<vmem>>, %arg3: memref<2x1024xf32, #tpu.memory_space<vmem>>, %arg4: memref<1024x128xf32, #tpu.memory_space<vmem>>) attributes {dimension_semantics = [#tpu.dimension_semantics<arbitrary>], iteration_bounds = array<i64: 10>, scalar_prefetch = 0 : i64, scratch_operands = 0 : i64, tpu.core_type = #tpu.core_type<tc>, window_params = [{transform_indices = @transform_0, window_bounds = array<i64: 1024, 128>}, {pipeline_mode = #tpu.pipeline_mode<synchronous>, transform_indices = @transform_1, window_bounds = array<i64: 128, 128>}, {transform_indices = @transform_2, window_bounds = array<i64: 2, 1024>}, {transform_indices = @transform_3, window_bounds = array<i64: 1024, 128>}]} {
    %get3A = arith.constant 0 : index
    %get3A_0 = arith.constant 0 : index
    %get3A_1 = vector.load %arg3[%get3A, %get3A_0] : memref<2x1024xf32, #tpu.memory_space<vmem>>, vector<1x1024xf32>
    %get3A_2 = vector.shape_cast %get3A_1 : vector<1x1024xf32> to vector<1024xf32>
    %get3A_3 = arith.constant 1 : index
    %get3A_4 = arith.constant 0 : index
    %get3A_5 = vector.load %arg3[%get3A_3, %get3A_4] : memref<2x1024xf32, #tpu.memory_space<vmem>>, vector<1x1024xf32>
    %get3A_6 = vector.shape_cast %get3A_5 : vector<1x1024xf32> to vector<1024xf32>
    %add3A = arith.addf %get3A_2, %get3A_6 : vector<1024xf32>
    %max3A = arith.constant 1.000000e+00 : f32
    %max3A_7 = vector.broadcast %max3A : f32 to vector<1024xf32>
    %max3A_8 = arith.maximumf %add3A, %max3A_7 : vector<1024xf32>
    %rsqrt3A = math.rsqrt %max3A_8 : vector<1024xf32>
    %get3A_9 = arith.constant 0 : index
    %get3A_10 = arith.constant 0 : index
    %get3A_11 = vector.load %arg1[%get3A_9, %get3A_10] : memref<1024x128xf32, #tpu.memory_space<vmem>>, vector<1024x128xf32>
    %get3A_12 = arith.constant 0 : index
    %get3A_13 = arith.constant 0 : index
    %get3A_14 = vector.load %arg2[%get3A_12, %get3A_13] : memref<128x128xf32, #tpu.memory_space<vmem>>, vector<128x128xf32>
    %dot_general3A = arith.constant dense<0.000000e+00> : vector<1024x128xf32>
    %dot_general3A_15 = tpu.matmul %get3A_11, %get3A_14, %dot_general3A {dimension_numbers = #tpu.dot_dimension_numbers<[1], [0], [0], [1], [0, 0, 1, 1], [], []>, transpose_lhs_hint = false} : vector<1024x128xf32>, vector<128x128xf32>, vector<1024x128xf32> -> vector<1024x128xf32>
    %broadcast_in_dim3A = vector.shape_cast %rsqrt3A : vector<1024xf32> to vector<1024x1xf32>
    %mul3A = vector.broadcast %broadcast_in_dim3A : vector<1024x1xf32> to vector<1024x128xf32>
    %mul3A_16 = arith.mulf %dot_general3A_15, %mul3A : vector<1024x128xf32>
    %swap3A = arith.constant 0 : index
    %swap3A_17 = arith.constant 0 : index
    %swap3A_18 = vector.load %arg4[%swap3A, %swap3A_17] : memref<1024x128xf32, #tpu.memory_space<vmem>>, vector<1024x128xf32>
    tpu.vector_store %arg4[%swap3A, %swap3A_17], %mul3A_16 {strides = array<i32>} : memref<1024x128xf32, #tpu.memory_space<vmem>>, vector<1024x128xf32>,
    return
  }
  func.func @transform_0(%arg0: i32) -> (i32, i32) {
    %c0_i32 = arith.constant 0 : i32
    %c0_i32_0 = arith.constant 0 : i32
    return %arg0, %c0_i32 : i32, i32
  }
  func.func @transform_1(%arg0: i32) -> (i32, i32) {
    %c0_i32 = arith.constant 0 : i32
    %c0_i32_0 = arith.constant 0 : i32
    %c0_i32_1 = arith.constant 0 : i32
    return %c0_i32, %c0_i32_0 : i32, i32
  }
  func.func @transform_2(%arg0: i32) -> (i32, i32) {
    %c0_i32 = arith.constant 0 : i32
    %c0_i32_0 = arith.constant 0 : i32
    return %c0_i32, %arg0 : i32, i32
  }
  func.func @transform_3(%arg0: i32) -> (i32, i32) {
    %c0_i32 = arith.constant 0 : i32
    %c0_i32_0 = arith.constant 0 : i32
    return %arg0, %c0_i32 : i32, i32
  }
}

module attributes {stable_mosaic.version = 14 : i64} {
  func.func @_final_body(%arg0: i32, %arg1: memref<2x1024x128xf32, #tpu.memory_space<vmem>>, %arg2: memref<2x1024xf32, #tpu.memory_space<vmem>>, %arg3: memref<1x128xf32, #tpu.memory_space<vmem>>, %arg4: memref<1024x128xf32, #tpu.memory_space<vmem>>) attributes {dimension_semantics = [#tpu.dimension_semantics<arbitrary>], iteration_bounds = array<i64: 10>, scalar_prefetch = 0 : i64, scratch_operands = 0 : i64, tpu.core_type = #tpu.core_type<tc>, window_params = [{transform_indices = @transform_0, window_bounds = array<i64: 2, 1024, 128>}, {transform_indices = @transform_1, window_bounds = array<i64: 2, 1024>}, {pipeline_mode = #tpu.pipeline_mode<synchronous>, transform_indices = @transform_2, window_bounds = array<i64: 1, 128>}, {transform_indices = @transform_3, window_bounds = array<i64: 1024, 128>}]} {
    %get3A = arith.constant 0 : index
    %get3A_0 = arith.constant 0 : index
    %get3A_1 = vector.load %arg2[%get3A, %get3A_0] : memref<2x1024xf32, #tpu.memory_space<vmem>>, vector<1x1024xf32>
    %get3A_2 = vector.shape_cast %get3A_1 : vector<1x1024xf32> to vector<1024xf32>
    %get3A_3 = arith.constant 1 : index
    %get3A_4 = arith.constant 0 : index
    %get3A_5 = vector.load %arg2[%get3A_3, %get3A_4] : memref<2x1024xf32, #tpu.memory_space<vmem>>, vector<1x1024xf32>
    %get3A_6 = vector.shape_cast %get3A_5 : vector<1x1024xf32> to vector<1024xf32>
    %add3A = arith.addf %get3A_2, %get3A_6 : vector<1024xf32>
    %max3A = arith.constant 1.000000e+00 : f32
    %max3A_7 = vector.broadcast %max3A : f32 to vector<1024xf32>
    %max3A_8 = arith.maximumf %add3A, %max3A_7 : vector<1024xf32>
    %rsqrt3A = math.rsqrt %max3A_8 : vector<1024xf32>
    %get3A_9 = arith.constant 0 : index
    %get3A_10 = arith.constant 0 : index
    %get3A_11 = arith.constant 0 : index
    %get3A_12 = vector.load %arg1[%get3A_9, %get3A_10, %get3A_11] : memref<2x1024x128xf32, #tpu.memory_space<vmem>>, vector<1x1024x128xf32>
    %get3A_13 = vector.shape_cast %get3A_12 : vector<1x1024x128xf32> to vector<1024x128xf32>
    %get3A_14 = arith.constant 1 : index
    %get3A_15 = arith.constant 0 : index
    %get3A_16 = arith.constant 0 : index
    %get3A_17 = vector.load %arg1[%get3A_14, %get3A_15, %get3A_16] : memref<2x1024x128xf32, #tpu.memory_space<vmem>>, vector<1x1024x128xf32>
    %get3A_18 = vector.shape_cast %get3A_17 : vector<1x1024x128xf32> to vector<1024x128xf32>
    %add3A_19 = arith.addf %get3A_13, %get3A_18 : vector<1024x128xf32>
    %broadcast_in_dim3A = vector.shape_cast %rsqrt3A : vector<1024xf32> to vector<1024x1xf32>
    %mul3A = vector.broadcast %broadcast_in_dim3A : vector<1024x1xf32> to vector<1024x128xf32>
    %mul3A_20 = arith.mulf %add3A_19, %mul3A : vector<1024x128xf32>
    %get3A_21 = arith.constant 0 : index
    %get3A_22 = arith.constant 0 : index
    %get3A_23 = vector.load %arg3[%get3A_21, %get3A_22] : memref<1x128xf32, #tpu.memory_space<vmem>>, vector<1x128xf32>
    %add3A_24 = vector.broadcast %get3A_23 : vector<1x128xf32> to vector<1024x128xf32>
    %add3A_25 = arith.addf %mul3A_20, %add3A_24 : vector<1024x128xf32>
    %max3A_26 = arith.constant 0.000000e+00 : f32
    %max3A_27 = vector.broadcast %max3A_26 : f32 to vector<1024x128xf32>
    %max3A_28 = arith.maximumf %add3A_25, %max3A_27 : vector<1024x128xf32>
    %reduce_max3A = arith.constant dense<0xFF800000> : vector<1024xf32>
    %reduce_max3A_29 = vector.multi_reduction <maximumf>, %max3A_28, %reduce_max3A [1] : vector<1024x128xf32> to vector<1024xf32>
    %broadcast_in_dim3A_30 = vector.shape_cast %reduce_max3A_29 : vector<1024xf32> to vector<1024x1xf32>
    %sub3A = vector.broadcast %broadcast_in_dim3A_30 : vector<1024x1xf32> to vector<1024x128xf32>
    %sub3A_31 = arith.subf %max3A_28, %sub3A : vector<1024x128xf32>
    %exp3A = math.exp %sub3A_31 : vector<1024x128xf32>
    %reduce_sum3A = arith.constant dense<0.000000e+00> : vector<1024xf32>
    %reduce_sum3A_32 = vector.multi_reduction <add>, %exp3A, %reduce_sum3A [1] : vector<1024x128xf32> to vector<1024xf32>
    %broadcast_in_dim3A_33 = vector.shape_cast %reduce_sum3A_32 : vector<1024xf32> to vector<1024x1xf32>
    %div3A = vector.broadcast %broadcast_in_dim3A_33 : vector<1024x1xf32> to vector<1024x128xf32>
    %div3A_34 = arith.divf %exp3A, %div3A : vector<1024x128xf32>
    %swap3A = arith.constant 0 : index
    %swap3A_35 = arith.constant 0 : index
    %swap3A_36 = vector.load %arg4[%swap3A, %swap3A_35] : memref<1024x128xf32, #tpu.memory_space<vmem>>, vector<1024x128xf32>
    tpu.vector_store %arg4[%swap3A, %swap3A_35], %div3A_34 {strides = array<i32>} : memref<1024x128xf32, #tpu.memory_space<vmem>>, vector<1024x128xf32>,
    return
  }
  func.func @transform_0(%arg0: i32) -> (i32, i32, i32) {
    %c0_i32 = arith.constant 0 : i32
    %c0_i32_0 = arith.constant 0 : i32
    %c0_i32_1 = arith.constant 0 : i32
    return %c0_i32, %arg0, %c0_i32_0 : i32, i32, i32
  }
  func.func @transform_1(%arg0: i32) -> (i32, i32) {
    %c0_i32 = arith.constant 0 : i32
    %c0_i32_0 = arith.constant 0 : i32
    return %c0_i32, %arg0 : i32, i32
  }
  func.func @transform_2(%arg0: i32) -> (i32, i32) {
    %c0_i32 = arith.constant 0 : i32
    %c0_i32_0 = arith.constant 0 : i32
    %c0_i32_1 = arith.constant 0 : i32
    return %c0_i32, %c0_i32_0 : i32, i32
  }
  func.func @transform_3(%arg0: i32) -> (i32, i32) {
    %c0_i32 = arith.constant 0 : i32
    %c0_i32_0 = arith.constant 0 : i32
    return %arg0, %c0_i32 : i32, i32
  }
}

module attributes {stable_mosaic.version = 14 : i64} {
  func.func @_comb_mm_body(%arg0: i32, %arg1: memref<2x1024x128xf32, #tpu.memory_space<vmem>>, %arg2: memref<2x1024xf32, #tpu.memory_space<vmem>>, %arg3: memref<1x128xf32, #tpu.memory_space<vmem>>, %arg4: memref<2x1024xf32, #tpu.memory_space<vmem>>, %arg5: memref<128x128xf32, #tpu.memory_space<vmem>>, %arg6: memref<1024x128xf32, #tpu.memory_space<vmem>>) attributes {dimension_semantics = [#tpu.dimension_semantics<arbitrary>], iteration_bounds = array<i64: 10>, scalar_prefetch = 0 : i64, scratch_operands = 0 : i64, tpu.core_type = #tpu.core_type<tc>, window_params = [{transform_indices = @transform_0, window_bounds = array<i64: 2, 1024, 128>}, {transform_indices = @transform_1, window_bounds = array<i64: 2, 1024>}, {pipeline_mode = #tpu.pipeline_mode<synchronous>, transform_indices = @transform_2, window_bounds = array<i64: 1, 128>}, {transform_indices = @transform_3, window_bounds = array<i64: 2, 1024>}, {pipeline_mode = #tpu.pipeline_mode<synchronous>, transform_indices = @transform_4, window_bounds = array<i64: 128, 128>}, {transform_indices = @transform_5, window_bounds = array<i64: 1024, 128>}]} {
    %get3A = arith.constant 0 : index
    %get3A_0 = arith.constant 0 : index
    %get3A_1 = vector.load %arg2[%get3A, %get3A_0] : memref<2x1024xf32, #tpu.memory_space<vmem>>, vector<1x1024xf32>
    %get3A_2 = vector.shape_cast %get3A_1 : vector<1x1024xf32> to vector<1024xf32>
    %get3A_3 = arith.constant 1 : index
    %get3A_4 = arith.constant 0 : index
    %get3A_5 = vector.load %arg2[%get3A_3, %get3A_4] : memref<2x1024xf32, #tpu.memory_space<vmem>>, vector<1x1024xf32>
    %get3A_6 = vector.shape_cast %get3A_5 : vector<1x1024xf32> to vector<1024xf32>
    %add3A = arith.addf %get3A_2, %get3A_6 : vector<1024xf32>
    %max3A = arith.constant 1.000000e+00 : f32
    %max3A_7 = vector.broadcast %max3A : f32 to vector<1024xf32>
    %max3A_8 = arith.maximumf %add3A, %max3A_7 : vector<1024xf32>
    %rsqrt3A = math.rsqrt %max3A_8 : vector<1024xf32>
    %get3A_9 = arith.constant 0 : index
    %get3A_10 = arith.constant 0 : index
    %get3A_11 = arith.constant 0 : index
    %get3A_12 = vector.load %arg1[%get3A_9, %get3A_10, %get3A_11] : memref<2x1024x128xf32, #tpu.memory_space<vmem>>, vector<1x1024x128xf32>
    %get3A_13 = vector.shape_cast %get3A_12 : vector<1x1024x128xf32> to vector<1024x128xf32>
    %get3A_14 = arith.constant 1 : index
    %get3A_15 = arith.constant 0 : index
    %get3A_16 = arith.constant 0 : index
    %get3A_17 = vector.load %arg1[%get3A_14, %get3A_15, %get3A_16] : memref<2x1024x128xf32, #tpu.memory_space<vmem>>, vector<1x1024x128xf32>
    %get3A_18 = vector.shape_cast %get3A_17 : vector<1x1024x128xf32> to vector<1024x128xf32>
    %add3A_19 = arith.addf %get3A_13, %get3A_18 : vector<1024x128xf32>
    %broadcast_in_dim3A = vector.shape_cast %rsqrt3A : vector<1024xf32> to vector<1024x1xf32>
    %mul3A = vector.broadcast %broadcast_in_dim3A : vector<1024x1xf32> to vector<1024x128xf32>
    %mul3A_20 = arith.mulf %add3A_19, %mul3A : vector<1024x128xf32>
    %get3A_21 = arith.constant 0 : index
    %get3A_22 = arith.constant 0 : index
    %get3A_23 = vector.load %arg3[%get3A_21, %get3A_22] : memref<1x128xf32, #tpu.memory_space<vmem>>, vector<1x128xf32>
    %add3A_24 = vector.broadcast %get3A_23 : vector<1x128xf32> to vector<1024x128xf32>
    %add3A_25 = arith.addf %mul3A_20, %add3A_24 : vector<1024x128xf32>
    %max3A_26 = arith.constant 0.000000e+00 : f32
    %max3A_27 = vector.broadcast %max3A_26 : f32 to vector<1024x128xf32>
    %max3A_28 = arith.maximumf %add3A_25, %max3A_27 : vector<1024x128xf32>
    %get3A_29 = arith.constant 0 : index
    %get3A_30 = arith.constant 0 : index
    %get3A_31 = vector.load %arg4[%get3A_29, %get3A_30] : memref<2x1024xf32, #tpu.memory_space<vmem>>, vector<1x1024xf32>
    %get3A_32 = vector.shape_cast %get3A_31 : vector<1x1024xf32> to vector<1024xf32>
    %get3A_33 = arith.constant 1 : index
    %get3A_34 = arith.constant 0 : index
    %get3A_35 = vector.load %arg4[%get3A_33, %get3A_34] : memref<2x1024xf32, #tpu.memory_space<vmem>>, vector<1x1024xf32>
    %get3A_36 = vector.shape_cast %get3A_35 : vector<1x1024xf32> to vector<1024xf32>
    %add3A_37 = arith.addf %get3A_32, %get3A_36 : vector<1024xf32>
    %max3A_38 = arith.constant 1.000000e+00 : f32
    %max3A_39 = vector.broadcast %max3A_38 : f32 to vector<1024xf32>
    %max3A_40 = arith.maximumf %add3A_37, %max3A_39 : vector<1024xf32>
    %rsqrt3A_41 = math.rsqrt %max3A_40 : vector<1024xf32>
    %get3A_42 = arith.constant 0 : index
    %get3A_43 = arith.constant 0 : index
    %get3A_44 = vector.load %arg5[%get3A_42, %get3A_43] : memref<128x128xf32, #tpu.memory_space<vmem>>, vector<128x128xf32>
    %dot_general3A = arith.constant dense<0.000000e+00> : vector<1024x128xf32>
    %dot_general3A_45 = tpu.matmul %max3A_28, %get3A_44, %dot_general3A {dimension_numbers = #tpu.dot_dimension_numbers<[1], [0], [0], [1], [0, 0, 1, 1], [], []>, transpose_lhs_hint = false} : vector<1024x128xf32>, vector<128x128xf32>, vector<1024x128xf32> -> vector<1024x128xf32>
    %broadcast_in_dim3A_46 = vector.shape_cast %rsqrt3A_41 : vector<1024xf32> to vector<1024x1xf32>
    %mul3A_47 = vector.broadcast %broadcast_in_dim3A_46 : vector<1024x1xf32> to vector<1024x128xf32>
    %mul3A_48 = arith.mulf %dot_general3A_45, %mul3A_47 : vector<1024x128xf32>
    %swap3A = arith.constant 0 : index
    %swap3A_49 = arith.constant 0 : index
    %swap3A_50 = vector.load %arg6[%swap3A, %swap3A_49] : memref<1024x128xf32, #tpu.memory_space<vmem>>, vector<1024x128xf32>
    tpu.vector_store %arg6[%swap3A, %swap3A_49], %mul3A_48 {strides = array<i32>} : memref<1024x128xf32, #tpu.memory_space<vmem>>, vector<1024x128xf32>,
    return
  }
  func.func @transform_0(%arg0: i32) -> (i32, i32, i32) {
    %c0_i32 = arith.constant 0 : i32
    %c0_i32_0 = arith.constant 0 : i32
    %c0_i32_1 = arith.constant 0 : i32
    return %c0_i32, %arg0, %c0_i32_0 : i32, i32, i32
  }
  func.func @transform_1(%arg0: i32) -> (i32, i32) {
    %c0_i32 = arith.constant 0 : i32
    %c0_i32_0 = arith.constant 0 : i32
    return %c0_i32, %arg0 : i32, i32
  }
  func.func @transform_2(%arg0: i32) -> (i32, i32) {
    %c0_i32 = arith.constant 0 : i32
    %c0_i32_0 = arith.constant 0 : i32
    %c0_i32_1 = arith.constant 0 : i32
    return %c0_i32, %c0_i32_0 : i32, i32
  }
  func.func @transform_3(%arg0: i32) -> (i32, i32) {
    %c0_i32 = arith.constant 0 : i32
    %c0_i32_0 = arith.constant 0 : i32
    return %c0_i32, %arg0 : i32, i32
  }
  func.func @transform_4(%arg0: i32) -> (i32, i32) {
    %c0_i32 = arith.constant 0 : i32
    %c0_i32_0 = arith.constant 0 : i32
    %c0_i32_1 = arith.constant 0 : i32
    return %c0_i32, %c0_i32_0 : i32, i32
  }
  func.func @transform_5(%arg0: i32) -> (i32, i32) {
    %c0_i32 = arith.constant 0 : i32
    %c0_i32_0 = arith.constant 0 : i32
    return %arg0, %c0_i32 : i32, i32
  }
}

</mosaic_0001>

<sc_bundles>
// kernel: kernel.11.cloned.1.call-start
scs
__scs_entry_jumppad:
0x0: {  	(pc) =	sbr.rel $0x88, $3  }
0x1: {  	(tag) =	ssettag $0x0;
	lr =	simm.s32 $0x1  }
0x2: {  	[smem:$0x3F9B] =	sst lr;
	_ =	strace $0xD0000000  }
0x3: {  	_ = 	snop  }
0x4: {  	_ = 	snop  }
0x5: {  	_ = 	snop  }
0x6: {  	_ = 	snop  }
0x7: {  	_ = 	snop  }
__scs_overlays_trampoline_lowered:
0x8: {  	[smem:$0x3FAA] =	sst s0  }
0x9: {  	[smem:$0x3FAB] =	sst s1  }
0xa: {  	[smem:$0x3FAC] =	sst s2  }
0xb: {  	[smem:$0x3FAD] =	sst s3  }
0xc: {  	[smem:$0x3FAE] =	sst s4  }
0xd: {  	[smem:$0x3FAF] =	sst s5  }
0xe: {  	[smem:$0x3FB0] =	sst s6  }
0xf: {  	[smem:$0x3FB1] =	sst s7  }
0x10: {  	[smem:$0x3FB2] =	sst s8  }
0x11: {  	[smem:$0x3FB3] =	sst s9;
	s0 =	simm.s32 @!p0 $0x0  }
0x12: {  	s1 =	sld [smem:$0x3F99];
	s0 =	simm.s32 @p0 $0x1  }
0x13: {  	[smem:$0x3FB4] =	sst s0;
	s0 =	simm.s32 @!p1 $0x0  }
0x14: {  	s2 =	sld [smem:$0x3F98];
	s0 =	simm.s32 @p1 $0x1  }
0x15: {  	[smem:$0x3FB5] =	sst s0;
	s0 =	simm.s32 @!p2 $0x0  }
0x16: {  	s3 =	sld [smem:$0x3FDB];
	s0 =	simm.s32 @p2 $0x1  }
0x17: {  	s4 =	simm.s32 $0x1BF5;
	[smem:$0x3FB7] =	sst s0  }
0x18: {  	s0 =	sld [smem:$0x3F9A];
	_ =	swait.ge [sflag:s4], $0x0  }
0x19: {  	s7 =	sld [smem:$0x3F9B]  }
0x1a: {  	s8 =	sadd.s32 $0xFFFFE003, lr  }
0x1b: {  	s9 =	sadd.s32 $0xFFFFFEF7, lr;
	s5 =	simm.s32 $0xFFFFFFFF;
	p2 =	slt.u32 s8, $0xFFFFF086  }
0x1c: {  	p1 =	slt.u32 s9, $0xF7A;
	s5 =	simm.s32 @!p2 $0x0  }
0x1d: {  	s5 =	simm.s32 @p1 $0x1;
	p0 =	seq.s32 s7, s2  }
0x1e: {  	s7 =	smul.u32 @!p0 $0xF7A, s2;
	p2 =	seq.s32 @!p0 s5, $0x0  }
0x1f: {  	s9 =	smul.u32 $0xF7A, s1;
	s8 =	simm.s32 @!p0 $0x1BF5;
	p2 =	por !p2, p0  }
0x20: {  	[sflag:s8] =	ssyncset.s32 @!p0 $0xFFFFF086;
	s6 =	sadd.s32 @!p0 s3, s7;
	s7 =	simm.s32 @!p0 $0x108  }
0x21: {  	s3 =	sadd.s32 s3, s9;
	s6 =	sadd.s32 @!p0 $0x88, s6;
	s7 =	simm.s32 @p2 $0x1082  }
0x22: {  	[simem:s7], [sflag:s8] =	dma.local @!p0 [hbm:s6], $0xF7A  }
0x23: {  	s9 =	sor.u32 $0xD0000000, s2;
	s6 =	simm.s32 $0x108;
	_ =	swait.ge @!p0 [sflag:s8], $0x0  }
0x24: {  	s3 =	sadd.s32 $0x88, s3;
	s6 =	simm.s32 @!p1 $0x1082;
	[sflag:s4] =	ssyncset.s32 $0xFFFFF086  }
0x25: {  	[simem:s6], [sflag:s4] =	dma.local [hbm:s3], $0xF7A  }
0x26: {  	[smem:$0x3F9B] =	sst s1;
	(tag) =	ssettag s2;
	_ =	strace s9  }
0x27: {  	s1 =	sld [smem:$0x3FAB]  }
0x28: {  	s2 =	sld [smem:$0x3FAC]  }
0x29: {  	s4 =	sld [smem:$0x3FAE]  }
0x2a: {  	p0 =	seq.s32 s5, $0x0;
	s5 =	sld [smem:$0x3FAF]  }
0x2b: {  	s6 =	sld [smem:$0x3FB0]  }
0x2c: {  	s7 =	sld [smem:$0x3FB1]  }
0x2d: {  	s3 =	simm.s32 $0x108;
	s8 =	sld [smem:$0x3FB2]  }
0x2e: {  	s3 =	simm.s32 @!p0 $0x1082;
	s9 =	sld [smem:$0x3FB3]  }
0x2f: {  	lr =	sadd.s32 s0, s3;
	s0 =	sld [smem:$0x3FAA]  }
0x30: {  	s3 =	sld [smem:$0x3FAD]  }
0x31: {  	[smem:$0x3FB6] =	sst s10  }
0x32: {  	s10 =	sld [smem:$0x3FB4];
	_ =	sdelay $0x3  }
0x33: {  	p0 =	seq.s32 s10, $0x1;
	s10 =	sld [smem:$0x3FB6];
	_ =	sdelay $0x3  }
0x34: {  	[smem:$0x3FB6] =	sst s10  }
0x35: {  	s10 =	sld [smem:$0x3FB5];
	_ =	sdelay $0x3  }
0x36: {  	p1 =	seq.s32 s10, $0x1;
	s10 =	sld [smem:$0x3FB6];
	_ =	sdelay $0x3  }
0x37: {  	[smem:$0x3FB6] =	sst s10  }
0x38: {  	s10 =	sld [smem:$0x3FB7]  }
0x39: {  	_ = 	snop;
	(pc) =	sbr.ind lr, $3  }
0x3a: {  	_ = 	snop  }
0x3b: {  	_ = 	snop  }
0x3c: {  	p2 =	seq.s32 s10, $0x1;
	s10 =	sld [smem:$0x3FB6]  }
0x3d: {  	_ =	shalt  }
0x3e: {  	_ =	shalt  }
0x3f: {  	_ =	shalt  }
0x40: {  	_ =	shalt  }
0x41: {  	_ =	shalt  }
0x42: {  	_ =	shalt  }
0x43: {  	_ =	shalt  }
0x44: {  	_ =	shalt  }
0x45: {  	_ =	shalt  }
0x46: {  	_ =	shalt  }
0x47: {  	_ =	shalt  }
0x48: {  	_ =	shalt  }
0x49: {  	_ =	shalt  }
0x4a: {  	_ =	shalt  }
0x4b: {  	_ =	shalt  }
0x4c: {  	_ =	shalt  }
0x4d: {  	_ =	shalt  }
0x4e: {  	_ =	shalt  }
0x4f: {  	_ =	shalt  }
0x50: {  	_ =	shalt  }
0x51: {  	_ =	shalt  }
0x52: {  	_ =	shalt  }
0x53: {  	_ =	shalt  }
0x54: {  	_ =	shalt  }
0x55: {  	_ =	shalt  }
0x56: {  	_ =	shalt  }
0x57: {  	_ =	shalt  }
0x58: {  	_ =	shalt  }
0x59: {  	_ =	shalt  }
0x5a: {  	_ =	shalt  }
0x5b: {  	_ =	shalt  }
0x5c: {  	_ =	shalt  }
0x5d: {  	_ =	shalt  }
0x5e: {  	_ =	shalt  }
0x5f: {  	_ =	shalt  }
0x60: {  	_ =	shalt  }
0x61: {  	_ =	shalt  }
0x62: {  	_ =	shalt  }
0x63: {  	_ =	shalt  }
0x64: {  	_ =	shalt  }
0x65: {  	_ =	shalt  }
0x66: {  	_ =	shalt  }
0x67: {  	_ =	shalt  }
0x68: {  	_ =	shalt  }
0x69: {  	_ =	shalt  }
0x6a: {  	_ =	shalt  }
0x6b: {  	_ =	shalt  }
0x6c: {  	_ =	shalt  }
0x6d: {  	_ =	shalt  }
0x6e: {  	_ =	shalt  }
0x6f: {  	_ =	shalt  }
0x70: {  	_ =	shalt  }
0x71: {  	_ =	shalt  }
0x72: {  	_ =	shalt  }
0x73: {  	_ =	shalt  }
0x74: {  	_ =	shalt  }
0x75: {  	_ =	shalt  }
0x76: {  	_ =	shalt  }
0x77: {  	_ =	shalt  }
0x78: {  	_ =	shalt  }
0x79: {  	_ =	shalt  }
0x7a: {  	_ =	shalt  }
0x7b: {  	_ =	shalt  }
0x7c: {  	_ =	shalt  }
0x7d: {  	_ =	shalt  }
0x7e: {  	_ =	shalt  }
0x7f: {  	_ =	shalt  }
0x80: {  	_ =	shalt  }
0x81: {  	_ =	shalt  }
0x82: {  	_ =	shalt  }
0x83: {  	_ =	shalt  }
0x84: {  	_ =	shalt  }
0x85: {  	_ =	shalt  }
0x86: {  	_ =	shalt  }
0x87: {  	_ =	shalt  }
.Lfunc_end0:
.L_simem_size_0:
called_computation.1_lowered:
.L_overlay_start_0:
0x88: {  	s2 =	sld [smem:$0x3FD9]  }
0x89: {  	s3 =	sld [smem:$0x3FFE];
	_ =	sdelay $0x1  }
0x8a: {  	s1 =	srdreg.scid  }
0x8b: {  	s0 =	sand.u32 $0x1, s1  }
0x8c: {  	s17 =	sshll.u32 s0, $0xA;
	s2 =	sadd.s32 s3, s2  }
0x8d: {  	s2 =	sadd.s32 s2, s17  }
0x8e: {  	[smem:$0x3FC2] =	sst s2  }
0x8f: {  	_ = 	snop  }
0x90: {  	s2 =	sld [smem:$0x3FD0];
	(tm) =	ssettm $0x1  }
0x91: {  	s18 =	sld [smem:$0x3FFB];
	_ =	sdelay $0x3  }
0x92: {  	_ =	strace s18  }
0x93: {  	s3 =	sld [smem:$0x3FFC];
	_ =	sdelay $0x3  }
0x94: {  	_ =	strace s3  }
0x95: {  	s3 =	sld [smem:$0x3FFD];
	_ =	sdelay $0x3  }
0x96: {  	_ =	strace s3  }
0x97: {  	_ =	strace $0x8FFFFFFF  }
0x98: {  	s19 =	sld [smem:$0x3FDB];
	_ =	sdelay $0x1  }
0x99: {  	s4 =	simm.s32 $_scs_section_size  }
0x9a: {  	s5 =	simm.s32 $_size__tile_overlayer_lowered;
	s6 =	simm.s32 $_tile_overlayer_lowered  }
0x9b: {  	s22 =	simm.s32 $0x1BFF;
	s21 =	sshll.u32 s6, $0x1;
	s3 =	sadd.s32 s4, s19  }
0x9c: {  	s7 =	simm.s32 $0x0;
	s20 =	sshll.u32 s5, $0x1;
	s5 =	sadd.s32 s21, s3  }
0x9d: {  	[timem:s7], [sflag:s22] =	dma.local [hbm:s5], s20  }
0x9e: {  	_ =	swait.ge [sflag:s22], s20  }
0x9f: {  	s4 =	ssub.s32 $0x0, s20;
	[sflag:s22] =	ssyncset.done $0x0  }
0xa0: {  	[sflag:s22] =	ssyncadd.s32 s4;
	_ =	sdelay $0x1  }
0xa1: {  	s23 =	simm.s32 $0x1B8B  }
0xa2: {  	_ =	swait.ge [sflag:s23], $0x1  }
0xa3: {  	[sflag:s23] =	ssyncset.done $0x0  }
0xa4: {  	s25 =	simm.s32 $0x1B8E;
	s24 =	sld [smem:$0x3FFE];
	[sflag:s23] =	ssyncadd.s32 $0xFFFFFFFF  }
0xa5: {  	s26 =	simm.s32 $execute0_lowered;
	[smem:$0x3FD2] =	sst s25  }
0xa6: {  	s5 =	sshll.u32 s26, $0x1;
	_ =	strace $0x80000049;
	[dreg:$0x1] =	wrdreg $0xFFFFFFFF  }
0xa7: {  	s28 =	simm.s32 $_size_execute0_lowered;
	s3 =	sadd.s32 s3, s5;
	[dreg:$0x0] =	wrdreg $0x0  }
0xa8: {  	s5 =	sshll.u32 s28, $0x1;
	[dreg:$0x2] =	wrdreg s3  }
0xa9: {  	[dreg:$0x3] =	wrdreg s5  }
0xaa: {  	[dreg:$0x4] =	wrdreg $0xC0  }
0xab: {  	_ =	task [dreg:s7], $0x5FFFF  }
0xac: {  	[dreg:$0x1] =	wrdreg $0xFFFFFFFF  }
0xad: {  	[dreg:$0x0] =	wrdreg $0x60  }
0xae: {  	[dreg:$0x2] =	wrdreg s24  }
0xaf: {  	[dreg:$0x3] =	wrdreg s2  }
0xb0: {  	[dreg:$0x4] =	wrdreg $0xA9800  }
0xb1: {  	[dreg:$0x5] =	wrdreg $0x9  }
0xb2: {  	_ =	task.clear_ibuf [dreg:s7], $0x6FFFF;
	_ =	strace $0x90000049  }
0xb3: {  	s29 =	simm.s32 $0x9;
	_ =	strace $0x8000004B  }
0xb4: {  	_ =	swait.ge [sflag:s29], $0x1  }
0xb5: {  	[sflag:s29] =	ssyncadd.s32 $0xFFFFFFFF  }
0xb6: {  	_ =	strace $0x9000004B  }
0xb7: {  	_ =	sfence  }
0xb8: {  	s30 =	sld [smem:$0x0];
	_ =	sdelay $0x2  }
0xb9: {  	s31 =	sshll.u32 s1, $0xD;
	s1 =	sshrl.u32 s1, $0x2  }
0xba: {  	s3 =	sand.u32 $0x4000, s31;
	s1 =	sadd.s32 s1, s30  }
0xbb: {  	s0 =	sor.u32 s3, s0;
	s1 =	sshll.u32 s1, $0x11  }
0xbc: {  	s0 =	sor.u32 s1, s0  }
0xbd: {  	s0 =	sadd.s32 $0x8F2B, s0  }
0xbe: {  	[sflag:s0] =	ssyncadd.remote.s32 $0x1  }
0xbf: {  	_ =	sfence.sel $0xFFFF  }
0xc0: {  	[dreg:$0x0] =	wrdreg $0xFFFFFFFF;
	(pc) =	sbr.abs _section_cstart, $3  }
0xc1: {  	[dreg:$0x1] =	wrdreg $0xFFFFFFFF  }
0xc2: {  	_ =	task.clear_ibuf [dreg:s7], $0x2FFFF;
	_ =	strace $0x9FFFFFFF  }
0xc3: {  	(tm) =	ssettm $0x7FFFFFFF  }
tec
execute0_lowered:
.L_overlay_start_1:
0x0: {  	(tag) =	ssettag $0x1  }
0x1: {  	s0 =	rddreg [dreg:$0x0]  }
0x2: {  	s1 =	rddreg [dreg:$0x1]  }
0x3: {  	s2 =	rddreg [dreg:$0x2];
	s3 =	srdreg.scid  }
0x4: {  	s4 =	simm.s32 $0x0;
	s13 =	stileid.u32;
	s10 =	simm.s32 $0x4E  }
0x5: {  	s15 =	simm.s32 $0x80;
	s16 =	simm.s32 $0x2880;
	s17 =	simm.s32 $0x2900  }
0x6: {  	s19 =	simm.s32 $0x6;
	s28 =	simm.s32 $0x6980;
	s29 =	simm.s32 $0x4  }
0x7: {  	s30 =	simm.s32 $0x2;
	s31 =	simm.s32 $0x5;
	s3 =	sand.u32 $0x1, s3  }
0x8: {  	[smem:$0x7FF] =	sst s4;
	s8 =	smul.u32 $0x13C00, s13;
	s5 =	sadd.s32 $0x2800, s0  }
0x9: {  	s6 =	sadd.s32 $0x2A800, s0;
	s22 =	smul.u32 $0x4F000, s13;
	s25 =	sshll.u32 s13, $0x6  }
0xa: {  	s7 =	smul.u32 $0x13C000, s3;
	s9 =	sshll.u32 s3, $0x4;
	s3 =	ssub.s32 $0x2, s3  }
0xb: {  	_ =	strace $0x8000004A;
	s14 =	sor.u32 s13, s9;
	s21 =	sshrl.u32 s3, $0x1  }
0xc: {  	s12 =	sshrl.u32 s22, $0x2;
	s7 =	sadd.s32 s8, s7;
	s20 =	smul.u32 $0x4E, s14  }
0xd: {  	s9 =	smin.u32 s14, $0x4;
	s3 =	ssub.s32 s3, s21;
	p0 =	slt.u32 s14, $0x4  }
0xe: {  	s18 =	sadd.s32 s12, s2;
	s7 =	sshrl.u32 s7, $0x3;
	s10 =	simm.s32 @!p0 $0x4D  }
0xf: {  	s21 =	sadd.s32 $0x8000, s18;
	s22 =	sadd.s32 $0xC000, s18;
	s13 =	smax.u32 s3, $0x1  }
0x10: {  	p0 =	sgt.u32 s14, $0x3;
	s3 =	simm.s32 $0x0;
	s0 =	sadd.s32 s7, s0  }
0x11: {  	s26 =	sadd.s32 s9, s20;
	s20 =	sadd.s32 $0x4000, s18;
	s21 =	sshrl.u32 s21, $0x3  }
0x12: {  	s22 =	sshrl.u32 s22, $0x3;
	s7 =	sadd.s32 $0x9C4, s26;
	s11 =	sshll.u32 s26, $0x4  }
0x13: {  	v2 =	vlaneseq.u32;
	s12 =	sadd.s32 $0x2B000, s0;
	s20 =	sshrl.u32 s20, $0x3;
	s23 =	sshll.u32 s7, $0x4  }
0x14: {  	v1 =	vor.u32 $0x10, v2;
	s0 =	simm.s32 $0x3;
	s11 =	sadd.s32 s11, s1;
	s9 =	sadd.s32 s1, s23  }
0x15: {  	v3 =	vor.u32 $0x40, v2;
	v4 =	vor.u32 $0x20, v2;
	v5 =	vor.u32 $0x30, v2;
	s24 =	sadd.s32 $0x9C50, s11;
	s11 =	sor.u32 $0x1C06, s25;
	s23 =	sadd.s32 $0x10000, s18  }
0x16: {  	v6 =	vmin.u32 v3, s10;
	v0 =	vadd.s32 s26, v2;
	v1 =	vadd.s32 s26, v1;
	s18 =	sshrl.u32 s18, $0x3;
	s25 =	simm.s32 $0x2980;
	[dreg:$0x4] =	wrdreg s9  }
0x17: {  	v2 =	vadd.s32 s26, v4;
	v3 =	vadd.s32 s26, v5;
	v4 =	vadd.s32 s26, v6;
	[dreg:$0x5] =	wrdreg s24;
	s23 =	sshrl.u32 s23, $0x3;
	s24 =	simm.s32 $0x1  }
.LBB2_1:
0x18: {  	[tilespmem:$0x0] =	vst v0  }
0x19: {  	[tilespmem:$0x10] =	vst v1  }
0x1a: {  	[tilespmem:$0x20] =	vst v2  }
0x1b: {  	[tilespmem:$0x30] =	vst v3  }
0x1c: {  	[tilespmem:$0x40] =	vst v4;
	s8 =	simm.s32 $0x50  }
0x1d: {  	[tilespmem:s15], [sflag:$0x1] =	stream.indirect.gather [hbm4b:s1+s8], $0x80, s4, s8, $0xb8;
	[tilespmem:$0x1E580] =	vst v63  }
0x1e: {  	s26 =	rddreg [dreg:$0x4]  }
0x1f: {  	[tilespmem:s16], [sflag:$0x2] =	stream.linear.gather [hbm4b:s26+s4], $0x80, $0x38;
	[tilespmem:$0x1E580] =	vst v63  }
0x20: {  	s9 =	rddreg [dreg:$0x5]  }
0x21: {  	[tilespmem:s17], [sflag:$0x3] =	stream.linear.gather [hbm4b:s9+s4], $0x80, $0x38;
	[tilespmem:$0x1E580] =	vst v63  }
0x22: {  	[spmem:s18], [sflag:s11] =	dma.local [hbm:s6], $0x800  }
0x23: {  	_ =	swait.ge [sflag:s19], $0x800  }
0x24: {  	[sflag:s19] =	ssyncset.done $0x0  }
0x25: {  	[sflag:s19] =	ssyncadd.s32 $0xFFFFF800  }
0x26: {  	[spmem:s20], [sflag:s11] =	dma.local [hbm:s6], $0x800  }
0x27: {  	_ =	swait.ge [sflag:s19], $0x800  }
0x28: {  	[sflag:s19] =	ssyncset.done $0x0  }
0x29: {  	[sflag:s19] =	ssyncadd.s32 $0xFFFFF800  }
0x2a: {  	[spmem:s21], [sflag:s11] =	dma.local [hbm:s6], $0x800  }
0x2b: {  	_ =	swait.ge [sflag:s19], $0x800  }
0x2c: {  	[sflag:s19] =	ssyncset.done $0x0  }
0x2d: {  	[sflag:s19] =	ssyncadd.s32 $0xFFFFF800  }
0x2e: {  	[spmem:s22], [sflag:s11] =	dma.local [hbm:s6], $0x800  }
0x2f: {  	_ =	swait.ge [sflag:s19], $0x800  }
0x30: {  	[sflag:s19] =	ssyncset.done $0x0  }
0x31: {  	[sflag:s19] =	ssyncadd.s32 $0xFFFFF800  }
0x32: {  	[spmem:s23], [sflag:s11] =	dma.local [hbm:s6], $0x780  }
0x33: {  	_ =	swait.ge [sflag:s19], $0x780  }
0x34: {  	[sflag:s19] =	ssyncset.done $0x0  }
0x35: {  	[sflag:s19] =	ssyncadd.s32 $0xFFFFF880  }
0x36: {  	_ =	swait.ge [sflag:s24], $0x2800  }
0x37: {  	[sflag:s24] =	ssyncset.done $0x0  }
0x38: {  	[sflag:s24] =	ssyncadd.s32 $0xFFFFD800  }
0x39: {  	[tilespmem:s25], [sflag:$0x4] =	stream.indirect.gather [hbm4b:s5+s15], $0x80, s15, s15, $0xb8;
	[tilespmem:$0x1E580] =	vst v63  }
0x3a: {  	s14 =	simm.s32 $0x100  }
0x3b: {  	[tilespmem:s28], [sflag:$0x5] =	stream.indirect.gather [hbm4b:s5+s15], $0x80, s14, s15, $0xb8;
	[tilespmem:$0x1E580] =	vst v63  }
0x3c: {  	[bflag:$0x0] =	sbarrier.arrive $0xFFFF  }
0x3d: {  	_ =	swait.ge [sflag:s29], $0x4000  }
0x3e: {  	[sflag:s29] =	ssyncset.done $0x0  }
0x3f: {  	p1 =	sgt.s32 s10, $0x2;
	[sflag:s29] =	ssyncadd.s32 $0xFFFFC000  }
0x40: {  	s26 =	smov.u32 s10;
	s14 =	simm.s32 $0x2;
	_ =	swait.ge [sflag:s30], $0x80  }
0x41: {  	s26 =	smov.u32 @p1 s14;
	[sflag:s30] =	ssyncset.done $0x0  }
0x42: {  	s14 =	sadd.s32 s7, s26;
	[sflag:s30] =	ssyncadd.s32 $0xFFFFFF80  }
0x43: {  	[spmem:s2] =	stream.indirect.scatter.add.f32 [tilespmem:s25], [sflag:$0x6], $0x80, s16, s15, $0xb8;
	[tilespmem:$0x1E580] =	vst v63  }
0x44: {  	s14 =	sshll.u32 s14, $0x4;
	_ =	swait.ge [sflag:s19], $0x4000  }
0x45: {  	s26 =	sshll.u32 s26, $0x7;
	s14 =	sand.u32 $0x1FFFFFF0, s14;
	[sflag:s19] =	ssyncset.done $0x0  }
0x46: {  	s26 =	sand.u32 $0x3FFFFF80, s26;
	s14 =	sadd.s32 s1, s14;
	[sflag:s19] =	ssyncadd.s32 $0xFFFFC000  }
0x47: {  	[tilespmem:s16], [sflag:$0x2] =	stream.linear.gather [hbm4b:s14+s4], $0x80, $0x38;
	[tilespmem:$0x1E580] =	vst v63  }
0x48: {  	s26 =	sadd.s32 $0x80, s26  }
0x49: {  	[tilespmem:s25], [sflag:$0x4] =	stream.indirect.gather [hbm4b:s5+s15], $0x80, s26, s15, $0xb8;
	[tilespmem:$0x1E580] =	vst v63  }
0x4a: {  	_ =	swait.ge [sflag:s31], $0x4000  }
0x4b: {  	[sflag:s31] =	ssyncset.done $0x0  }
0x4c: {  	[sflag:s31] =	ssyncadd.s32 $0xFFFFC000  }
0x4d: {  	p1 =	sgt.s32 s10, $0x3;
	s14 =	smov.u32 s10;
	_ =	swait.ge [sflag:s0], $0x80  }
0x4e: {  	s14 =	smov.u32 @p1 s0;
	[sflag:s0] =	ssyncset.done $0x0  }
0x4f: {  	s8 =	sadd.s32 s7, s14;
	[sflag:s0] =	ssyncadd.s32 $0xFFFFFF80  }
0x50: {  	[spmem:s2] =	stream.indirect.scatter.add.f32 [tilespmem:s28], [sflag:$0x6], $0x80, s17, s15, $0xb8;
	[tilespmem:$0x1E580] =	vst v63  }
0x51: {  	s26 =	sshll.u32 s8, $0x4;
	_ =	swait.ge [sflag:s19], $0x4000  }
0x52: {  	s14 =	sshll.u32 s14, $0x7;
	s26 =	sand.u32 $0x1FFFFFF0, s26;
	[sflag:s19] =	ssyncset.done $0x0  }
0x53: {  	s9 =	sand.u32 $0x3FFFFF80, s14;
	s26 =	sadd.s32 s1, s26;
	[sflag:s19] =	ssyncadd.s32 $0xFFFFC000  }
0x54: {  	[tilespmem:s17], [sflag:$0x3] =	stream.linear.gather [hbm4b:s26+s4], $0x80, $0x38;
	[tilespmem:$0x1E580] =	vst v63  }
0x55: {  	s14 =	simm.s32 $0x5;
	s26 =	sadd.s32 $0x80, s9  }
.LBB2_2:
0x56: {  	p1 =	sne.s32 s14, $0x4F;
	s9 =	smov.u32 s14;
	s14 =	sadd.s32 $0x2, s14  }
0x57: {  	[tilespmem:s28], [sflag:$0x5] =	stream.indirect.gather [hbm4b:s5+s15], $0x80, s26, s15, $0xb8;
	[tilespmem:$0x1E580] =	vst v63  }
0x58: {  	_ =	swait.ge [sflag:s29], $0x4000  }
0x59: {  	[sflag:s29] =	ssyncset.done $0x0  }
0x5a: {  	[sflag:s29] =	ssyncadd.s32 $0xFFFFC000  }
0x5b: {  	s26 =	sadd.s32 $0xFFFFFFFF, s9;
	_ =	swait.ge [sflag:s30], $0x80  }
0x5c: {  	s8 =	smov.u32 s10;
	p2 =	slt.s32 s26, s10;
	[sflag:s30] =	ssyncset.done $0x0  }
0x5d: {  	s8 =	smov.u32 @p2 s26;
	[sflag:s30] =	ssyncadd.s32 $0xFFFFFF80  }
0x5e: {  	[spmem:s2] =	stream.indirect.scatter.add.f32 [tilespmem:s25], [sflag:$0x6], $0x80, s16, s15, $0xb8;
	[tilespmem:$0x1E580] =	vst v63  }
0x5f: {  	s26 =	sadd.s32 s7, s8;
	s8 =	sshll.u32 s8, $0x7;
	_ =	swait.ge [sflag:s19], $0x4000  }
0x60: {  	s26 =	sshll.u32 s26, $0x4;
	s8 =	sand.u32 $0x3FFFFF80, s8;
	[sflag:s19] =	ssyncset.done $0x0  }
0x61: {  	s26 =	sand.u32 $0x1FFFFFF0, s26;
	[sflag:s19] =	ssyncadd.s32 $0xFFFFC000  }
0x62: {  	s8 =	sadd.s32 $0x80, s8;
	s26 =	sadd.s32 s1, s26  }
0x63: {  	[tilespmem:s16], [sflag:$0x2] =	stream.linear.gather [hbm4b:s26+s4], $0x80, $0x38;
	[tilespmem:$0x1E580] =	vst v63  }
0x64: {  	_ = 	snop  }
0x65: {  	[tilespmem:s25], [sflag:$0x4] =	stream.indirect.gather [hbm4b:s5+s15], $0x80, s8, s15, $0xb8;
	[tilespmem:$0x1E580] =	vst v63  }
0x66: {  	_ =	swait.ge [sflag:s31], $0x4000  }
0x67: {  	[sflag:s31] =	ssyncset.done $0x0  }
0x68: {  	[sflag:s31] =	ssyncadd.s32 $0xFFFFC000  }
0x69: {  	p2 =	slt.s32 s9, s10;
	s8 =	smov.u32 s10;
	_ =	swait.ge [sflag:s0], $0x80  }
0x6a: {  	s8 =	smov.u32 @p2 s9;
	[sflag:s0] =	ssyncset.done $0x0  }
0x6b: {  	s9 =	sadd.s32 s7, s8;
	s8 =	sshll.u32 s8, $0x7;
	[sflag:s0] =	ssyncadd.s32 $0xFFFFFF80  }
0x6c: {  	[spmem:s2] =	stream.indirect.scatter.add.f32 [tilespmem:s28], [sflag:$0x6], $0x80, s17, s15, $0xb8;
	[tilespmem:$0x1E580] =	vst v63  }
.Ltmp0:
0x6d: {  	_ = 	snop;
	(pc) =	sbr.rel @p1 .LBB2_2-.Ltmp0, $4  }
0x6e: {  	s9 =	sshll.u32 s9, $0x4;
	s8 =	sand.u32 $0x3FFFFF80, s8;
	_ =	swait.ge [sflag:s19], $0x4000  }
0x6f: {  	s9 =	sand.u32 $0x1FFFFFF0, s9;
	s26 =	sadd.s32 $0x80, s8;
	[sflag:s19] =	ssyncset.done $0x0  }
0x70: {  	s8 =	sadd.s32 s1, s9;
	[sflag:s19] =	ssyncadd.s32 $0xFFFFC000  }
0x71: {  	[tilespmem:s17], [sflag:$0x3] =	stream.linear.gather [hbm4b:s8+s4], $0x80, $0x38;
	[tilespmem:$0x1E580] =	vst v63  }
0x72: {  	[tilespmem:s28], [sflag:$0x5] =	stream.indirect.gather [hbm4b:s5+s15], $0x80, s26, s15, $0xb8;
	[tilespmem:$0x1E580] =	vst v63  }
0x73: {  	_ =	swait.ge [sflag:s29], $0x4000  }
0x74: {  	[sflag:s29] =	ssyncset.done $0x0  }
0x75: {  	[sflag:s29] =	ssyncadd.s32 $0xFFFFC000  }
0x76: {  	_ =	swait.ge [sflag:s30], $0x80  }
0x77: {  	s8 =	simm.s32 @!p0 $0x80;
	[sflag:s30] =	ssyncset.done $0x0  }
0x78: {  	s9 =	simm.s32 @!p0 $0x2880;
	s14 =	simm.s32 @!p0 $0x2980;
	[sflag:s30] =	ssyncadd.s32 $0xFFFFFF80  }
0x79: {  	[spmem:s2] =	stream.indirect.scatter.add.f32 @!p0 [tilespmem:s14], [sflag:$0x6], $0x80, s9, s8, $0xb8;
	[tilespmem:$0x1E580] =	vst v63  }
0x7a: {  	s8 =	simm.s32 @!p0 $0x6  }
0x7b: {  	_ =	swait.ge @!p0 [sflag:s8], $0x4000  }
0x7c: {  	[sflag:s8] =	ssyncset.done @!p0 $0x0  }
0x7d: {  	[sflag:s8] =	ssyncadd.s32 @!p0 $0xFFFFC000  }
0x7e: {  	_ =	swait.ge [sflag:s31], $0x4000  }
0x7f: {  	[sflag:s31] =	ssyncset.done $0x0  }
0x80: {  	[sflag:s31] =	ssyncadd.s32 $0xFFFFC000  }
0x81: {  	_ =	swait.ge [sflag:s0], $0x80  }
0x82: {  	s3 =	sadd.s32 $0x1, s3;
	[sflag:s0] =	ssyncset.done $0x0  }
0x83: {  	p1 =	sne.s32 s3, s13;
	[sflag:s0] =	ssyncadd.s32 $0xFFFFFF80  }
.Ltmp1:
0x84: {  	[bflag:$0x0] =	sbarrier.arrive $0xFFFF;
	(pc) =	sbr.rel @p1 .LBB2_1-.Ltmp1, $4  }
0x85: {  	[hbm:s12], [sflag:s11] =	dma.local [spmem:s18], $0x2780  }
0x86: {  	_ =	swait.ge [sflag:s19], $0x2780  }
0x87: {  	[sflag:s19] =	ssyncset.done $0x0  }
0x88: {  	[sflag:s19] =	ssyncadd.s32 $0xFFFFD880  }
0x89: {  	_ =	sfence.sel $0x180000  }
0x8a: {  	[bflag:$0x0] =	sbarrier.arrive $0xFFFF  }
0x8b: {  	_ =	strace $0x9000004A  }
0x8c: {  	s0 =	stileid.u32;
	[bflag:$0x2] =	sbarrier.arrive $0xFFFF  }
0x8d: {  	p0 =	sne.s32 s0, $0x0;
	s0 =	rddreg [dreg:$0x3]  }
0x8e: {  	s0 =	sadd.s32 @!p0 $0x100000, s0  }
0x8f: {  	[sflag:s0] =	ssyncadd.tile.s32 @!p0 $0x1;
	_ =	shalt  }
.Lfunc_end2:
_tile_overlayer_lowered:
.L_overlay_start_2:
0x90: {  	(tag) =	ssettag $0x2  }
0x91: {  	s0 =	rddreg [dreg:$0x0];
	s2 =	stileid.u32  }
0x92: {  	s1 =	rddreg [dreg:$0x1];
	p0 =	sne.s32 s2, $0x0  }
0x93: {  	s3 =	rddreg [dreg:$0x2];
	[bflag:$0x3] =	sbarrier.arrive $0xFFFF;
	s2 =	simm.s32 @!p0 $0x1C06  }
0x94: {  	[timem:s3], [sflag:s2] =	dma.local @!p0 [hbm:s0], s1  }
0x95: {  	s0 =	simm.s32 @!p0 $0x6  }
0x96: {  	_ =	swait.ge @!p0 [sflag:s0], s1  }
0x97: {  	s1 =	ssub.s32 @!p0 $0x0, s1;
	[sflag:s0] =	ssyncset.done @!p0 $0x0  }
0x98: {  	[sflag:s0] =	ssyncadd.s32 @!p0 s1  }
0x99: {  	[bflag:$0x3] =	sbarrier.arrive $0xFFFF  }
0x9a: {  	_ =	shalt  }

// kernel: kernel.14.cloned.1.call-start
scs
__scs_entry_jumppad:
0x0: {  	(pc) =	sbr.rel $0x88, $3  }
0x1: {  	(tag) =	ssettag $0x0;
	lr =	simm.s32 $0x1  }
0x2: {  	[smem:$0x3F9B] =	sst lr;
	_ =	strace $0xD0000000  }
0x3: {  	_ = 	snop  }
0x4: {  	_ = 	snop  }
0x5: {  	_ = 	snop  }
0x6: {  	_ = 	snop  }
0x7: {  	_ = 	snop  }
__scs_overlays_trampoline_lowered:
0x8: {  	[smem:$0x3FAA] =	sst s0  }
0x9: {  	[smem:$0x3FAB] =	sst s1  }
0xa: {  	[smem:$0x3FAC] =	sst s2  }
0xb: {  	[smem:$0x3FAD] =	sst s3  }
0xc: {  	[smem:$0x3FAE] =	sst s4  }
0xd: {  	[smem:$0x3FAF] =	sst s5  }
0xe: {  	[smem:$0x3FB0] =	sst s6  }
0xf: {  	[smem:$0x3FB1] =	sst s7  }
0x10: {  	[smem:$0x3FB2] =	sst s8  }
0x11: {  	[smem:$0x3FB3] =	sst s9;
	s0 =	simm.s32 @!p0 $0x0  }
0x12: {  	s1 =	sld [smem:$0x3F99];
	s0 =	simm.s32 @p0 $0x1  }
0x13: {  	[smem:$0x3FB4] =	sst s0;
	s0 =	simm.s32 @!p1 $0x0  }
0x14: {  	s2 =	sld [smem:$0x3F98];
	s0 =	simm.s32 @p1 $0x1  }
0x15: {  	[smem:$0x3FB5] =	sst s0;
	s0 =	simm.s32 @!p2 $0x0  }
0x16: {  	s3 =	sld [smem:$0x3FDB];
	s0 =	simm.s32 @p2 $0x1  }
0x17: {  	s4 =	simm.s32 $0x1BF5;
	[smem:$0x3FB7] =	sst s0  }
0x18: {  	s0 =	sld [smem:$0x3F9A];
	_ =	swait.ge [sflag:s4], $0x0  }
0x19: {  	s7 =	sld [smem:$0x3F9B]  }
0x1a: {  	s8 =	sadd.s32 $0xFFFFE003, lr  }
0x1b: {  	s9 =	sadd.s32 $0xFFFFFEF7, lr;
	s5 =	simm.s32 $0xFFFFFFFF;
	p2 =	slt.u32 s8, $0xFFFFF086  }
0x1c: {  	p1 =	slt.u32 s9, $0xF7A;
	s5 =	simm.s32 @!p2 $0x0  }
0x1d: {  	s5 =	simm.s32 @p1 $0x1;
	p0 =	seq.s32 s7, s2  }
0x1e: {  	s7 =	smul.u32 @!p0 $0xF7A, s2;
	p2 =	seq.s32 @!p0 s5, $0x0  }
0x1f: {  	s9 =	smul.u32 $0xF7A, s1;
	s8 =	simm.s32 @!p0 $0x1BF5;
	p2 =	por !p2, p0  }
0x20: {  	[sflag:s8] =	ssyncset.s32 @!p0 $0xFFFFF086;
	s6 =	sadd.s32 @!p0 s3, s7;
	s7 =	simm.s32 @!p0 $0x108  }
0x21: {  	s3 =	sadd.s32 s3, s9;
	s6 =	sadd.s32 @!p0 $0x88, s6;
	s7 =	simm.s32 @p2 $0x1082  }
0x22: {  	[simem:s7], [sflag:s8] =	dma.local @!p0 [hbm:s6], $0xF7A  }
0x23: {  	s9 =	sor.u32 $0xD0000000, s2;
	s6 =	simm.s32 $0x108;
	_ =	swait.ge @!p0 [sflag:s8], $0x0  }
0x24: {  	s3 =	sadd.s32 $0x88, s3;
	s6 =	simm.s32 @!p1 $0x1082;
	[sflag:s4] =	ssyncset.s32 $0xFFFFF086  }
0x25: {  	[simem:s6], [sflag:s4] =	dma.local [hbm:s3], $0xF7A  }
0x26: {  	[smem:$0x3F9B] =	sst s1;
	(tag) =	ssettag s2;
	_ =	strace s9  }
0x27: {  	s1 =	sld [smem:$0x3FAB]  }
0x28: {  	s2 =	sld [smem:$0x3FAC]  }
0x29: {  	s4 =	sld [smem:$0x3FAE]  }
0x2a: {  	p0 =	seq.s32 s5, $0x0;
	s5 =	sld [smem:$0x3FAF]  }
0x2b: {  	s6 =	sld [smem:$0x3FB0]  }
0x2c: {  	s7 =	sld [smem:$0x3FB1]  }
0x2d: {  	s3 =	simm.s32 $0x108;
	s8 =	sld [smem:$0x3FB2]  }
0x2e: {  	s3 =	simm.s32 @!p0 $0x1082;
	s9 =	sld [smem:$0x3FB3]  }
0x2f: {  	lr =	sadd.s32 s0, s3;
	s0 =	sld [smem:$0x3FAA]  }
0x30: {  	s3 =	sld [smem:$0x3FAD]  }
0x31: {  	[smem:$0x3FB6] =	sst s10  }
0x32: {  	s10 =	sld [smem:$0x3FB4];
	_ =	sdelay $0x3  }
0x33: {  	p0 =	seq.s32 s10, $0x1;
	s10 =	sld [smem:$0x3FB6];
	_ =	sdelay $0x3  }
0x34: {  	[smem:$0x3FB6] =	sst s10  }
0x35: {  	s10 =	sld [smem:$0x3FB5];
	_ =	sdelay $0x3  }
0x36: {  	p1 =	seq.s32 s10, $0x1;
	s10 =	sld [smem:$0x3FB6];
	_ =	sdelay $0x3  }
0x37: {  	[smem:$0x3FB6] =	sst s10  }
0x38: {  	s10 =	sld [smem:$0x3FB7]  }
0x39: {  	_ = 	snop;
	(pc) =	sbr.ind lr, $3  }
0x3a: {  	_ = 	snop  }
0x3b: {  	_ = 	snop  }
0x3c: {  	p2 =	seq.s32 s10, $0x1;
	s10 =	sld [smem:$0x3FB6]  }
0x3d: {  	_ =	shalt  }
0x3e: {  	_ =	shalt  }
0x3f: {  	_ =	shalt  }
0x40: {  	_ =	shalt  }
0x41: {  	_ =	shalt  }
0x42: {  	_ =	shalt  }
0x43: {  	_ =	shalt  }
0x44: {  	_ =	shalt  }
0x45: {  	_ =	shalt  }
0x46: {  	_ =	shalt  }
0x47: {  	_ =	shalt  }
0x48: {  	_ =	shalt  }
0x49: {  	_ =	shalt  }
0x4a: {  	_ =	shalt  }
0x4b: {  	_ =	shalt  }
0x4c: {  	_ =	shalt  }
0x4d: {  	_ =	shalt  }
0x4e: {  	_ =	shalt  }
0x4f: {  	_ =	shalt  }
0x50: {  	_ =	shalt  }
0x51: {  	_ =	shalt  }
0x52: {  	_ =	shalt  }
0x53: {  	_ =	shalt  }
0x54: {  	_ =	shalt  }
0x55: {  	_ =	shalt  }
0x56: {  	_ =	shalt  }
0x57: {  	_ =	shalt  }
0x58: {  	_ =	shalt  }
0x59: {  	_ =	shalt  }
0x5a: {  	_ =	shalt  }
0x5b: {  	_ =	shalt  }
0x5c: {  	_ =	shalt  }
0x5d: {  	_ =	shalt  }
0x5e: {  	_ =	shalt  }
0x5f: {  	_ =	shalt  }
0x60: {  	_ =	shalt  }
0x61: {  	_ =	shalt  }
0x62: {  	_ =	shalt  }
0x63: {  	_ =	shalt  }
0x64: {  	_ =	shalt  }
0x65: {  	_ =	shalt  }
0x66: {  	_ =	shalt  }
0x67: {  	_ =	shalt  }
0x68: {  	_ =	shalt  }
0x69: {  	_ =	shalt  }
0x6a: {  	_ =	shalt  }
0x6b: {  	_ =	shalt  }
0x6c: {  	_ =	shalt  }
0x6d: {  	_ =	shalt  }
0x6e: {  	_ =	shalt  }
0x6f: {  	_ =	shalt  }
0x70: {  	_ =	shalt  }
0x71: {  	_ =	shalt  }
0x72: {  	_ =	shalt  }
0x73: {  	_ =	shalt  }
0x74: {  	_ =	shalt  }
0x75: {  	_ =	shalt  }
0x76: {  	_ =	shalt  }
0x77: {  	_ =	shalt  }
0x78: {  	_ =	shalt  }
0x79: {  	_ =	shalt  }
0x7a: {  	_ =	shalt  }
0x7b: {  	_ =	shalt  }
0x7c: {  	_ =	shalt  }
0x7d: {  	_ =	shalt  }
0x7e: {  	_ =	shalt  }
0x7f: {  	_ =	shalt  }
0x80: {  	_ =	shalt  }
0x81: {  	_ =	shalt  }
0x82: {  	_ =	shalt  }
0x83: {  	_ =	shalt  }
0x84: {  	_ =	shalt  }
0x85: {  	_ =	shalt  }
0x86: {  	_ =	shalt  }
0x87: {  	_ =	shalt  }
.Lfunc_end0:
.L_simem_size_0:
called_computation.2_lowered:
.L_overlay_start_0:
0x88: {  	s2 =	sld [smem:$0x3FD9]  }
0x89: {  	s3 =	sld [smem:$0x3FFE];
	_ =	sdelay $0x1  }
0x8a: {  	s1 =	srdreg.scid  }
0x8b: {  	s0 =	sand.u32 $0x1, s1  }
0x8c: {  	s17 =	sshll.u32 s0, $0xA;
	s2 =	sadd.s32 s3, s2  }
0x8d: {  	s2 =	sadd.s32 s2, s17  }
0x8e: {  	[smem:$0x3FC2] =	sst s2  }
0x8f: {  	_ = 	snop  }
0x90: {  	s2 =	sld [smem:$0x3FD0];
	(tm) =	ssettm $0x1  }
0x91: {  	s18 =	sld [smem:$0x3FFB];
	_ =	sdelay $0x3  }
0x92: {  	_ =	strace s18  }
0x93: {  	s3 =	sld [smem:$0x3FFC];
	_ =	sdelay $0x3  }
0x94: {  	_ =	strace s3  }
0x95: {  	s3 =	sld [smem:$0x3FFD];
	_ =	sdelay $0x3  }
0x96: {  	_ =	strace s3  }
0x97: {  	_ =	strace $0x8FFFFFFF  }
0x98: {  	s19 =	sld [smem:$0x3FDB];
	_ =	sdelay $0x1  }
0x99: {  	s4 =	simm.s32 $_scs_section_size  }
0x9a: {  	s5 =	simm.s32 $_size__tile_overlayer_lowered;
	s6 =	simm.s32 $_tile_overlayer_lowered  }
0x9b: {  	s22 =	simm.s32 $0x1BFF;
	s21 =	sshll.u32 s6, $0x1;
	s3 =	sadd.s32 s4, s19  }
0x9c: {  	s7 =	simm.s32 $0x0;
	s20 =	sshll.u32 s5, $0x1;
	s5 =	sadd.s32 s21, s3  }
0x9d: {  	[timem:s7], [sflag:s22] =	dma.local [hbm:s5], s20  }
0x9e: {  	_ =	swait.ge [sflag:s22], s20  }
0x9f: {  	s4 =	ssub.s32 $0x0, s20;
	[sflag:s22] =	ssyncset.done $0x0  }
0xa0: {  	[sflag:s22] =	ssyncadd.s32 s4;
	_ =	sdelay $0x1  }
0xa1: {  	s23 =	simm.s32 $0x1B8B  }
0xa2: {  	_ =	swait.ge [sflag:s23], $0x1  }
0xa3: {  	[sflag:s23] =	ssyncset.done $0x0  }
0xa4: {  	s25 =	simm.s32 $0x1B8E;
	s24 =	sld [smem:$0x3FFE];
	[sflag:s23] =	ssyncadd.s32 $0xFFFFFFFF  }
0xa5: {  	s26 =	simm.s32 $execute0_lowered;
	[smem:$0x3FD2] =	sst s25  }
0xa6: {  	s5 =	sshll.u32 s26, $0x1;
	_ =	strace $0x8000004C;
	[dreg:$0x1] =	wrdreg $0xFFFFFFFF  }
0xa7: {  	s28 =	simm.s32 $_size_execute0_lowered;
	s3 =	sadd.s32 s3, s5;
	[dreg:$0x0] =	wrdreg $0x0  }
0xa8: {  	s5 =	sshll.u32 s28, $0x1;
	[dreg:$0x2] =	wrdreg s3  }
0xa9: {  	[dreg:$0x3] =	wrdreg s5  }
0xaa: {  	[dreg:$0x4] =	wrdreg $0xC0  }
0xab: {  	_ =	task [dreg:s7], $0x5FFFF  }
0xac: {  	[dreg:$0x1] =	wrdreg $0xFFFFFFFF  }
0xad: {  	[dreg:$0x0] =	wrdreg $0x60  }
0xae: {  	[dreg:$0x2] =	wrdreg s24  }
0xaf: {  	[dreg:$0x3] =	wrdreg s2  }
0xb0: {  	[dreg:$0x4] =	wrdreg $0xA9800  }
0xb1: {  	[dreg:$0x5] =	wrdreg $0x9  }
0xb2: {  	_ =	task.clear_ibuf [dreg:s7], $0x6FFFF;
	_ =	strace $0x9000004C  }
0xb3: {  	s29 =	simm.s32 $0x9;
	_ =	strace $0x8000004E  }
0xb4: {  	_ =	swait.ge [sflag:s29], $0x1  }
0xb5: {  	[sflag:s29] =	ssyncadd.s32 $0xFFFFFFFF  }
0xb6: {  	_ =	strace $0x9000004E  }
0xb7: {  	_ =	sfence  }
0xb8: {  	s30 =	sld [smem:$0x0];
	_ =	sdelay $0x2  }
0xb9: {  	s31 =	sshll.u32 s1, $0xD;
	s1 =	sshrl.u32 s1, $0x2  }
0xba: {  	s3 =	sand.u32 $0x4000, s31;
	s1 =	sadd.s32 s1, s30  }
0xbb: {  	s0 =	sor.u32 s3, s0;
	s1 =	sshll.u32 s1, $0x11  }
0xbc: {  	s0 =	sor.u32 s1, s0  }
0xbd: {  	s0 =	sadd.s32 $0x8F2B, s0  }
0xbe: {  	[sflag:s0] =	ssyncadd.remote.s32 $0x1  }
0xbf: {  	_ =	sfence.sel $0xFFFF  }
0xc0: {  	[dreg:$0x0] =	wrdreg $0xFFFFFFFF;
	(pc) =	sbr.abs _section_cstart, $3  }
0xc1: {  	[dreg:$0x1] =	wrdreg $0xFFFFFFFF  }
0xc2: {  	_ =	task.clear_ibuf [dreg:s7], $0x2FFFF;
	_ =	strace $0x9FFFFFFF  }
0xc3: {  	(tm) =	ssettm $0x7FFFFFFF  }
tec
execute0_lowered:
.L_overlay_start_1:
0x0: {  	(tag) =	ssettag $0x1  }
0x1: {  	s0 =	rddreg [dreg:$0x0]  }
0x2: {  	s1 =	rddreg [dreg:$0x1]  }
0x3: {  	s2 =	rddreg [dreg:$0x2];
	s3 =	srdreg.scid  }
0x4: {  	s4 =	simm.s32 $0x0;
	s13 =	stileid.u32;
	s10 =	simm.s32 $0x4E  }
0x5: {  	s15 =	simm.s32 $0x80;
	s16 =	simm.s32 $0x2880;
	s17 =	simm.s32 $0x2900  }
0x6: {  	s19 =	simm.s32 $0x6;
	s28 =	simm.s32 $0x6980;
	s29 =	simm.s32 $0x4  }
0x7: {  	s30 =	simm.s32 $0x2;
	s31 =	simm.s32 $0x5;
	s3 =	sand.u32 $0x1, s3  }
0x8: {  	[smem:$0x7FF] =	sst s4;
	s8 =	smul.u32 $0x13C00, s13;
	s5 =	sadd.s32 $0x2800, s0  }
0x9: {  	s6 =	sadd.s32 $0x2A800, s0;
	s22 =	smul.u32 $0x4F000, s13;
	s25 =	sshll.u32 s13, $0x6  }
0xa: {  	s7 =	smul.u32 $0x13C000, s3;
	s9 =	sshll.u32 s3, $0x4;
	s3 =	ssub.s32 $0x2, s3  }
0xb: {  	_ =	strace $0x8000004D;
	s14 =	sor.u32 s13, s9;
	s21 =	sshrl.u32 s3, $0x1  }
0xc: {  	s12 =	sshrl.u32 s22, $0x2;
	s7 =	sadd.s32 s8, s7;
	s20 =	smul.u32 $0x4E, s14  }
0xd: {  	s9 =	smin.u32 s14, $0x4;
	s3 =	ssub.s32 s3, s21;
	p0 =	slt.u32 s14, $0x4  }
0xe: {  	s18 =	sadd.s32 s12, s2;
	s7 =	sshrl.u32 s7, $0x3;
	s10 =	simm.s32 @!p0 $0x4D  }
0xf: {  	s21 =	sadd.s32 $0x8000, s18;
	s22 =	sadd.s32 $0xC000, s18;
	s13 =	smax.u32 s3, $0x1  }
0x10: {  	p0 =	sgt.u32 s14, $0x3;
	s3 =	simm.s32 $0x0;
	s0 =	sadd.s32 s7, s0  }
0x11: {  	s26 =	sadd.s32 s9, s20;
	s20 =	sadd.s32 $0x4000, s18;
	s21 =	sshrl.u32 s21, $0x3  }
0x12: {  	s22 =	sshrl.u32 s22, $0x3;
	s7 =	sadd.s32 $0x9C4, s26;
	s11 =	sshll.u32 s26, $0x4  }
0x13: {  	v2 =	vlaneseq.u32;
	s12 =	sadd.s32 $0x2B000, s0;
	s20 =	sshrl.u32 s20, $0x3;
	s23 =	sshll.u32 s7, $0x4  }
0x14: {  	v1 =	vor.u32 $0x10, v2;
	s0 =	simm.s32 $0x3;
	s11 =	sadd.s32 s11, s1;
	s9 =	sadd.s32 s1, s23  }
0x15: {  	v3 =	vor.u32 $0x40, v2;
	v4 =	vor.u32 $0x20, v2;
	v5 =	vor.u32 $0x30, v2;
	s24 =	sadd.s32 $0x9C50, s11;
	s11 =	sor.u32 $0x1C06, s25;
	s23 =	sadd.s32 $0x10000, s18  }
0x16: {  	v6 =	vmin.u32 v3, s10;
	v0 =	vadd.s32 s26, v2;
	v1 =	vadd.s32 s26, v1;
	s18 =	sshrl.u32 s18, $0x3;
	s25 =	simm.s32 $0x2980;
	[dreg:$0x4] =	wrdreg s9  }
0x17: {  	v2 =	vadd.s32 s26, v4;
	v3 =	vadd.s32 s26, v5;
	v4 =	vadd.s32 s26, v6;
	[dreg:$0x5] =	wrdreg s24;
	s23 =	sshrl.u32 s23, $0x3;
	s24 =	simm.s32 $0x1  }
.LBB2_1:
0x18: {  	[tilespmem:$0x0] =	vst v0  }
0x19: {  	[tilespmem:$0x10] =	vst v1  }
0x1a: {  	[tilespmem:$0x20] =	vst v2  }
0x1b: {  	[tilespmem:$0x30] =	vst v3  }
0x1c: {  	[tilespmem:$0x40] =	vst v4;
	s8 =	simm.s32 $0x50  }
0x1d: {  	[tilespmem:s15], [sflag:$0x1] =	stream.indirect.gather [hbm4b:s1+s8], $0x80, s4, s8, $0xb8;
	[tilespmem:$0x1E580] =	vst v63  }
0x1e: {  	s26 =	rddreg [dreg:$0x4]  }
0x1f: {  	[tilespmem:s16], [sflag:$0x2] =	stream.linear.gather [hbm4b:s26+s4], $0x80, $0x38;
	[tilespmem:$0x1E580] =	vst v63  }
0x20: {  	s9 =	rddreg [dreg:$0x5]  }
0x21: {  	[tilespmem:s17], [sflag:$0x3] =	stream.linear.gather [hbm4b:s9+s4], $0x80, $0x38;
	[tilespmem:$0x1E580] =	vst v63  }
0x22: {  	[spmem:s18], [sflag:s11] =	dma.local [hbm:s6], $0x800  }
0x23: {  	_ =	swait.ge [sflag:s19], $0x800  }
0x24: {  	[sflag:s19] =	ssyncset.done $0x0  }
0x25: {  	[sflag:s19] =	ssyncadd.s32 $0xFFFFF800  }
0x26: {  	[spmem:s20], [sflag:s11] =	dma.local [hbm:s6], $0x800  }
0x27: {  	_ =	swait.ge [sflag:s19], $0x800  }
0x28: {  	[sflag:s19] =	ssyncset.done $0x0  }
0x29: {  	[sflag:s19] =	ssyncadd.s32 $0xFFFFF800  }
0x2a: {  	[spmem:s21], [sflag:s11] =	dma.local [hbm:s6], $0x800  }
0x2b: {  	_ =	swait.ge [sflag:s19], $0x800  }
0x2c: {  	[sflag:s19] =	ssyncset.done $0x0  }
0x2d: {  	[sflag:s19] =	ssyncadd.s32 $0xFFFFF800  }
0x2e: {  	[spmem:s22], [sflag:s11] =	dma.local [hbm:s6], $0x800  }
0x2f: {  	_ =	swait.ge [sflag:s19], $0x800  }
0x30: {  	[sflag:s19] =	ssyncset.done $0x0  }
0x31: {  	[sflag:s19] =	ssyncadd.s32 $0xFFFFF800  }
0x32: {  	[spmem:s23], [sflag:s11] =	dma.local [hbm:s6], $0x780  }
0x33: {  	_ =	swait.ge [sflag:s19], $0x780  }
0x34: {  	[sflag:s19] =	ssyncset.done $0x0  }
0x35: {  	[sflag:s19] =	ssyncadd.s32 $0xFFFFF880  }
0x36: {  	_ =	swait.ge [sflag:s24], $0x2800  }
0x37: {  	[sflag:s24] =	ssyncset.done $0x0  }
0x38: {  	[sflag:s24] =	ssyncadd.s32 $0xFFFFD800  }
0x39: {  	[tilespmem:s25], [sflag:$0x4] =	stream.indirect.gather [hbm4b:s5+s15], $0x80, s15, s15, $0xb8;
	[tilespmem:$0x1E580] =	vst v63  }
0x3a: {  	s14 =	simm.s32 $0x100  }
0x3b: {  	[tilespmem:s28], [sflag:$0x5] =	stream.indirect.gather [hbm4b:s5+s15], $0x80, s14, s15, $0xb8;
	[tilespmem:$0x1E580] =	vst v63  }
0x3c: {  	[bflag:$0x0] =	sbarrier.arrive $0xFFFF  }
0x3d: {  	_ =	swait.ge [sflag:s29], $0x4000  }
0x3e: {  	[sflag:s29] =	ssyncset.done $0x0  }
0x3f: {  	p1 =	sgt.s32 s10, $0x2;
	[sflag:s29] =	ssyncadd.s32 $0xFFFFC000  }
0x40: {  	s26 =	smov.u32 s10;
	s14 =	simm.s32 $0x2;
	_ =	swait.ge [sflag:s30], $0x80  }
0x41: {  	s26 =	smov.u32 @p1 s14;
	[sflag:s30] =	ssyncset.done $0x0  }
0x42: {  	s14 =	sadd.s32 s7, s26;
	[sflag:s30] =	ssyncadd.s32 $0xFFFFFF80  }
0x43: {  	[spmem:s2] =	stream.indirect.scatter.add.f32 [tilespmem:s25], [sflag:$0x6], $0x80, s16, s15, $0xb8;
	[tilespmem:$0x1E580] =	vst v63  }
0x44: {  	s14 =	sshll.u32 s14, $0x4;
	_ =	swait.ge [sflag:s19], $0x4000  }
0x45: {  	s26 =	sshll.u32 s26, $0x7;
	s14 =	sand.u32 $0x1FFFFFF0, s14;
	[sflag:s19] =	ssyncset.done $0x0  }
0x46: {  	s26 =	sand.u32 $0x3FFFFF80, s26;
	s14 =	sadd.s32 s1, s14;
	[sflag:s19] =	ssyncadd.s32 $0xFFFFC000  }
0x47: {  	[tilespmem:s16], [sflag:$0x2] =	stream.linear.gather [hbm4b:s14+s4], $0x80, $0x38;
	[tilespmem:$0x1E580] =	vst v63  }
0x48: {  	s26 =	sadd.s32 $0x80, s26  }
0x49: {  	[tilespmem:s25], [sflag:$0x4] =	stream.indirect.gather [hbm4b:s5+s15], $0x80, s26, s15, $0xb8;
	[tilespmem:$0x1E580] =	vst v63  }
0x4a: {  	_ =	swait.ge [sflag:s31], $0x4000  }
0x4b: {  	[sflag:s31] =	ssyncset.done $0x0  }
0x4c: {  	[sflag:s31] =	ssyncadd.s32 $0xFFFFC000  }
0x4d: {  	p1 =	sgt.s32 s10, $0x3;
	s14 =	smov.u32 s10;
	_ =	swait.ge [sflag:s0], $0x80  }
0x4e: {  	s14 =	smov.u32 @p1 s0;
	[sflag:s0] =	ssyncset.done $0x0  }
0x4f: {  	s8 =	sadd.s32 s7, s14;
	[sflag:s0] =	ssyncadd.s32 $0xFFFFFF80  }
0x50: {  	[spmem:s2] =	stream.indirect.scatter.add.f32 [tilespmem:s28], [sflag:$0x6], $0x80, s17, s15, $0xb8;
	[tilespmem:$0x1E580] =	vst v63  }
0x51: {  	s26 =	sshll.u32 s8, $0x4;
	_ =	swait.ge [sflag:s19], $0x4000  }
0x52: {  	s14 =	sshll.u32 s14, $0x7;
	s26 =	sand.u32 $0x1FFFFFF0, s26;
	[sflag:s19] =	ssyncset.done $0x0  }
0x53: {  	s9 =	sand.u32 $0x3FFFFF80, s14;
	s26 =	sadd.s32 s1, s26;
	[sflag:s19] =	ssyncadd.s32 $0xFFFFC000  }
0x54: {  	[tilespmem:s17], [sflag:$0x3] =	stream.linear.gather [hbm4b:s26+s4], $0x80, $0x38;
	[tilespmem:$0x1E580] =	vst v63  }
0x55: {  	s14 =	simm.s32 $0x5;
	s26 =	sadd.s32 $0x80, s9  }
.LBB2_2:
0x56: {  	p1 =	sne.s32 s14, $0x4F;
	s9 =	smov.u32 s14;
	s14 =	sadd.s32 $0x2, s14  }
0x57: {  	[tilespmem:s28], [sflag:$0x5] =	stream.indirect.gather [hbm4b:s5+s15], $0x80, s26, s15, $0xb8;
	[tilespmem:$0x1E580] =	vst v63  }
0x58: {  	_ =	swait.ge [sflag:s29], $0x4000  }
0x59: {  	[sflag:s29] =	ssyncset.done $0x0  }
0x5a: {  	[sflag:s29] =	ssyncadd.s32 $0xFFFFC000  }
0x5b: {  	s26 =	sadd.s32 $0xFFFFFFFF, s9;
	_ =	swait.ge [sflag:s30], $0x80  }
0x5c: {  	s8 =	smov.u32 s10;
	p2 =	slt.s32 s26, s10;
	[sflag:s30] =	ssyncset.done $0x0  }
0x5d: {  	s8 =	smov.u32 @p2 s26;
	[sflag:s30] =	ssyncadd.s32 $0xFFFFFF80  }
0x5e: {  	[spmem:s2] =	stream.indirect.scatter.add.f32 [tilespmem:s25], [sflag:$0x6], $0x80, s16, s15, $0xb8;
	[tilespmem:$0x1E580] =	vst v63  }
0x5f: {  	s26 =	sadd.s32 s7, s8;
	s8 =	sshll.u32 s8, $0x7;
	_ =	swait.ge [sflag:s19], $0x4000  }
0x60: {  	s26 =	sshll.u32 s26, $0x4;
	s8 =	sand.u32 $0x3FFFFF80, s8;
	[sflag:s19] =	ssyncset.done $0x0  }
0x61: {  	s26 =	sand.u32 $0x1FFFFFF0, s26;
	[sflag:s19] =	ssyncadd.s32 $0xFFFFC000  }
0x62: {  	s8 =	sadd.s32 $0x80, s8;
	s26 =	sadd.s32 s1, s26  }
0x63: {  	[tilespmem:s16], [sflag:$0x2] =	stream.linear.gather [hbm4b:s26+s4], $0x80, $0x38;
	[tilespmem:$0x1E580] =	vst v63  }
0x64: {  	_ = 	snop  }
0x65: {  	[tilespmem:s25], [sflag:$0x4] =	stream.indirect.gather [hbm4b:s5+s15], $0x80, s8, s15, $0xb8;
	[tilespmem:$0x1E580] =	vst v63  }
0x66: {  	_ =	swait.ge [sflag:s31], $0x4000  }
0x67: {  	[sflag:s31] =	ssyncset.done $0x0  }
0x68: {  	[sflag:s31] =	ssyncadd.s32 $0xFFFFC000  }
0x69: {  	p2 =	slt.s32 s9, s10;
	s8 =	smov.u32 s10;
	_ =	swait.ge [sflag:s0], $0x80  }
0x6a: {  	s8 =	smov.u32 @p2 s9;
	[sflag:s0] =	ssyncset.done $0x0  }
0x6b: {  	s9 =	sadd.s32 s7, s8;
	s8 =	sshll.u32 s8, $0x7;
	[sflag:s0] =	ssyncadd.s32 $0xFFFFFF80  }
0x6c: {  	[spmem:s2] =	stream.indirect.scatter.add.f32 [tilespmem:s28], [sflag:$0x6], $0x80, s17, s15, $0xb8;
	[tilespmem:$0x1E580] =	vst v63  }
.Ltmp0:
0x6d: {  	_ = 	snop;
	(pc) =	sbr.rel @p1 .LBB2_2-.Ltmp0, $4  }
0x6e: {  	s9 =	sshll.u32 s9, $0x4;
	s8 =	sand.u32 $0x3FFFFF80, s8;
	_ =	swait.ge [sflag:s19], $0x4000  }
0x6f: {  	s9 =	sand.u32 $0x1FFFFFF0, s9;
	s26 =	sadd.s32 $0x80, s8;
	[sflag:s19] =	ssyncset.done $0x0  }
0x70: {  	s8 =	sadd.s32 s1, s9;
	[sflag:s19] =	ssyncadd.s32 $0xFFFFC000  }
0x71: {  	[tilespmem:s17], [sflag:$0x3] =	stream.linear.gather [hbm4b:s8+s4], $0x80, $0x38;
	[tilespmem:$0x1E580] =	vst v63  }
0x72: {  	[tilespmem:s28], [sflag:$0x5] =	stream.indirect.gather [hbm4b:s5+s15], $0x80, s26, s15, $0xb8;
	[tilespmem:$0x1E580] =	vst v63  }
0x73: {  	_ =	swait.ge [sflag:s29], $0x4000  }
0x74: {  	[sflag:s29] =	ssyncset.done $0x0  }
0x75: {  	[sflag:s29] =	ssyncadd.s32 $0xFFFFC000  }
0x76: {  	_ =	swait.ge [sflag:s30], $0x80  }
0x77: {  	s8 =	simm.s32 @!p0 $0x80;
	[sflag:s30] =	ssyncset.done $0x0  }
0x78: {  	s9 =	simm.s32 @!p0 $0x2880;
	s14 =	simm.s32 @!p0 $0x2980;
	[sflag:s30] =	ssyncadd.s32 $0xFFFFFF80  }
0x79: {  	[spmem:s2] =	stream.indirect.scatter.add.f32 @!p0 [tilespmem:s14], [sflag:$0x6], $0x80, s9, s8, $0xb8;
	[tilespmem:$0x1E580] =	vst v63  }
0x7a: {  	s8 =	simm.s32 @!p0 $0x6  }
0x7b: {  	_ =	swait.ge @!p0 [sflag:s8], $0x4000  }
0x7c: {  	[sflag:s8] =	ssyncset.done @!p0 $0x0  }
0x7d: {  	[sflag:s8] =	ssyncadd.s32 @!p0 $0xFFFFC000  }
0x7e: {  	_ =	swait.ge [sflag:s31], $0x4000  }
0x7f: {  	[sflag:s31] =	ssyncset.done $0x0  }
0x80: {  	[sflag:s31] =	ssyncadd.s32 $0xFFFFC000  }
0x81: {  	_ =	swait.ge [sflag:s0], $0x80  }
0x82: {  	s3 =	sadd.s32 $0x1, s3;
	[sflag:s0] =	ssyncset.done $0x0  }
0x83: {  	p1 =	sne.s32 s3, s13;
	[sflag:s0] =	ssyncadd.s32 $0xFFFFFF80  }
.Ltmp1:
0x84: {  	[bflag:$0x0] =	sbarrier.arrive $0xFFFF;
	(pc) =	sbr.rel @p1 .LBB2_1-.Ltmp1, $4  }
0x85: {  	[hbm:s12], [sflag:s11] =	dma.local [spmem:s18], $0x2780  }
0x86: {  	_ =	swait.ge [sflag:s19], $0x2780  }
0x87: {  	[sflag:s19] =	ssyncset.done $0x0  }
0x88: {  	[sflag:s19] =	ssyncadd.s32 $0xFFFFD880  }
0x89: {  	_ =	sfence.sel $0x180000  }
0x8a: {  	[bflag:$0x0] =	sbarrier.arrive $0xFFFF  }
0x8b: {  	_ =	strace $0x9000004D  }
0x8c: {  	s0 =	stileid.u32;
	[bflag:$0x2] =	sbarrier.arrive $0xFFFF  }
0x8d: {  	p0 =	sne.s32 s0, $0x0;
	s0 =	rddreg [dreg:$0x3]  }
0x8e: {  	s0 =	sadd.s32 @!p0 $0x100000, s0  }
0x8f: {  	[sflag:s0] =	ssyncadd.tile.s32 @!p0 $0x1;
	_ =	shalt  }
.Lfunc_end2:
_tile_overlayer_lowered:
.L_overlay_start_2:
0x90: {  	(tag) =	ssettag $0x2  }
0x91: {  	s0 =	rddreg [dreg:$0x0];
	s2 =	stileid.u32  }
0x92: {  	s1 =	rddreg [dreg:$0x1];
	p0 =	sne.s32 s2, $0x0  }
0x93: {  	s3 =	rddreg [dreg:$0x2];
	[bflag:$0x3] =	sbarrier.arrive $0xFFFF;
	s2 =	simm.s32 @!p0 $0x1C06  }
0x94: {  	[timem:s3], [sflag:s2] =	dma.local @!p0 [hbm:s0], s1  }
0x95: {  	s0 =	simm.s32 @!p0 $0x6  }
0x96: {  	_ =	swait.ge @!p0 [sflag:s0], s1  }
0x97: {  	s1 =	ssub.s32 @!p0 $0x0, s1;
	[sflag:s0] =	ssyncset.done @!p0 $0x0  }
0x98: {  	[sflag:s0] =	ssyncadd.s32 @!p0 s1  }
0x99: {  	[bflag:$0x3] =	sbarrier.arrive $0xFFFF  }
0x9a: {  	_ =	shalt  }

// kernel: kernel.8.cloned.1.call-start
scs
__scs_entry_jumppad:
0x0: {  	(pc) =	sbr.rel $0x88, $3  }
0x1: {  	(tag) =	ssettag $0x0;
	lr =	simm.s32 $0x1  }
0x2: {  	[smem:$0x3F9B] =	sst lr;
	_ =	strace $0xD0000000  }
0x3: {  	_ = 	snop  }
0x4: {  	_ = 	snop  }
0x5: {  	_ = 	snop  }
0x6: {  	_ = 	snop  }
0x7: {  	_ = 	snop  }
__scs_overlays_trampoline_lowered:
0x8: {  	[smem:$0x3FAA] =	sst s0  }
0x9: {  	[smem:$0x3FAB] =	sst s1  }
0xa: {  	[smem:$0x3FAC] =	sst s2  }
0xb: {  	[smem:$0x3FAD] =	sst s3  }
0xc: {  	[smem:$0x3FAE] =	sst s4  }
0xd: {  	[smem:$0x3FAF] =	sst s5  }
0xe: {  	[smem:$0x3FB0] =	sst s6  }
0xf: {  	[smem:$0x3FB1] =	sst s7  }
0x10: {  	[smem:$0x3FB2] =	sst s8  }
0x11: {  	[smem:$0x3FB3] =	sst s9;
	s0 =	simm.s32 @!p0 $0x0  }
0x12: {  	s1 =	sld [smem:$0x3F99];
	s0 =	simm.s32 @p0 $0x1  }
0x13: {  	[smem:$0x3FB4] =	sst s0;
	s0 =	simm.s32 @!p1 $0x0  }
0x14: {  	s2 =	sld [smem:$0x3F98];
	s0 =	simm.s32 @p1 $0x1  }
0x15: {  	[smem:$0x3FB5] =	sst s0;
	s0 =	simm.s32 @!p2 $0x0  }
0x16: {  	s3 =	sld [smem:$0x3FDB];
	s0 =	simm.s32 @p2 $0x1  }
0x17: {  	s4 =	simm.s32 $0x1BF5;
	[smem:$0x3FB7] =	sst s0  }
0x18: {  	s0 =	sld [smem:$0x3F9A];
	_ =	swait.ge [sflag:s4], $0x0  }
0x19: {  	s7 =	sld [smem:$0x3F9B]  }
0x1a: {  	s8 =	sadd.s32 $0xFFFFE003, lr  }
0x1b: {  	s9 =	sadd.s32 $0xFFFFFEF7, lr;
	s5 =	simm.s32 $0xFFFFFFFF;
	p2 =	slt.u32 s8, $0xFFFFF086  }
0x1c: {  	p1 =	slt.u32 s9, $0xF7A;
	s5 =	simm.s32 @!p2 $0x0  }
0x1d: {  	s5 =	simm.s32 @p1 $0x1;
	p0 =	seq.s32 s7, s2  }
0x1e: {  	s7 =	smul.u32 @!p0 $0xF7A, s2;
	p2 =	seq.s32 @!p0 s5, $0x0  }
0x1f: {  	s9 =	smul.u32 $0xF7A, s1;
	s8 =	simm.s32 @!p0 $0x1BF5;
	p2 =	por !p2, p0  }
0x20: {  	[sflag:s8] =	ssyncset.s32 @!p0 $0xFFFFF086;
	s6 =	sadd.s32 @!p0 s3, s7;
	s7 =	simm.s32 @!p0 $0x108  }
0x21: {  	s3 =	sadd.s32 s3, s9;
	s6 =	sadd.s32 @!p0 $0x88, s6;
	s7 =	simm.s32 @p2 $0x1082  }
0x22: {  	[simem:s7], [sflag:s8] =	dma.local @!p0 [hbm:s6], $0xF7A  }
0x23: {  	s9 =	sor.u32 $0xD0000000, s2;
	s6 =	simm.s32 $0x108;
	_ =	swait.ge @!p0 [sflag:s8], $0x0  }
0x24: {  	s3 =	sadd.s32 $0x88, s3;
	s6 =	simm.s32 @!p1 $0x1082;
	[sflag:s4] =	ssyncset.s32 $0xFFFFF086  }
0x25: {  	[simem:s6], [sflag:s4] =	dma.local [hbm:s3], $0xF7A  }
0x26: {  	[smem:$0x3F9B] =	sst s1;
	(tag) =	ssettag s2;
	_ =	strace s9  }
0x27: {  	s1 =	sld [smem:$0x3FAB]  }
0x28: {  	s2 =	sld [smem:$0x3FAC]  }
0x29: {  	s4 =	sld [smem:$0x3FAE]  }
0x2a: {  	p0 =	seq.s32 s5, $0x0;
	s5 =	sld [smem:$0x3FAF]  }
0x2b: {  	s6 =	sld [smem:$0x3FB0]  }
0x2c: {  	s7 =	sld [smem:$0x3FB1]  }
0x2d: {  	s3 =	simm.s32 $0x108;
	s8 =	sld [smem:$0x3FB2]  }
0x2e: {  	s3 =	simm.s32 @!p0 $0x1082;
	s9 =	sld [smem:$0x3FB3]  }
0x2f: {  	lr =	sadd.s32 s0, s3;
	s0 =	sld [smem:$0x3FAA]  }
0x30: {  	s3 =	sld [smem:$0x3FAD]  }
0x31: {  	[smem:$0x3FB6] =	sst s10  }
0x32: {  	s10 =	sld [smem:$0x3FB4];
	_ =	sdelay $0x3  }
0x33: {  	p0 =	seq.s32 s10, $0x1;
	s10 =	sld [smem:$0x3FB6];
	_ =	sdelay $0x3  }
0x34: {  	[smem:$0x3FB6] =	sst s10  }
0x35: {  	s10 =	sld [smem:$0x3FB5];
	_ =	sdelay $0x3  }
0x36: {  	p1 =	seq.s32 s10, $0x1;
	s10 =	sld [smem:$0x3FB6];
	_ =	sdelay $0x3  }
0x37: {  	[smem:$0x3FB6] =	sst s10  }
0x38: {  	s10 =	sld [smem:$0x3FB7]  }
0x39: {  	_ = 	snop;
	(pc) =	sbr.ind lr, $3  }
0x3a: {  	_ = 	snop  }
0x3b: {  	_ = 	snop  }
0x3c: {  	p2 =	seq.s32 s10, $0x1;
	s10 =	sld [smem:$0x3FB6]  }
0x3d: {  	_ =	shalt  }
0x3e: {  	_ =	shalt  }
0x3f: {  	_ =	shalt  }
0x40: {  	_ =	shalt  }
0x41: {  	_ =	shalt  }
0x42: {  	_ =	shalt  }
0x43: {  	_ =	shalt  }
0x44: {  	_ =	shalt  }
0x45: {  	_ =	shalt  }
0x46: {  	_ =	shalt  }
0x47: {  	_ =	shalt  }
0x48: {  	_ =	shalt  }
0x49: {  	_ =	shalt  }
0x4a: {  	_ =	shalt  }
0x4b: {  	_ =	shalt  }
0x4c: {  	_ =	shalt  }
0x4d: {  	_ =	shalt  }
0x4e: {  	_ =	shalt  }
0x4f: {  	_ =	shalt  }
0x50: {  	_ =	shalt  }
0x51: {  	_ =	shalt  }
0x52: {  	_ =	shalt  }
0x53: {  	_ =	shalt  }
0x54: {  	_ =	shalt  }
0x55: {  	_ =	shalt  }
0x56: {  	_ =	shalt  }
0x57: {  	_ =	shalt  }
0x58: {  	_ =	shalt  }
0x59: {  	_ =	shalt  }
0x5a: {  	_ =	shalt  }
0x5b: {  	_ =	shalt  }
0x5c: {  	_ =	shalt  }
0x5d: {  	_ =	shalt  }
0x5e: {  	_ =	shalt  }
0x5f: {  	_ =	shalt  }
0x60: {  	_ =	shalt  }
0x61: {  	_ =	shalt  }
0x62: {  	_ =	shalt  }
0x63: {  	_ =	shalt  }
0x64: {  	_ =	shalt  }
0x65: {  	_ =	shalt  }
0x66: {  	_ =	shalt  }
0x67: {  	_ =	shalt  }
0x68: {  	_ =	shalt  }
0x69: {  	_ =	shalt  }
0x6a: {  	_ =	shalt  }
0x6b: {  	_ =	shalt  }
0x6c: {  	_ =	shalt  }
0x6d: {  	_ =	shalt  }
0x6e: {  	_ =	shalt  }
0x6f: {  	_ =	shalt  }
0x70: {  	_ =	shalt  }
0x71: {  	_ =	shalt  }
0x72: {  	_ =	shalt  }
0x73: {  	_ =	shalt  }
0x74: {  	_ =	shalt  }
0x75: {  	_ =	shalt  }
0x76: {  	_ =	shalt  }
0x77: {  	_ =	shalt  }
0x78: {  	_ =	shalt  }
0x79: {  	_ =	shalt  }
0x7a: {  	_ =	shalt  }
0x7b: {  	_ =	shalt  }
0x7c: {  	_ =	shalt  }
0x7d: {  	_ =	shalt  }
0x7e: {  	_ =	shalt  }
0x7f: {  	_ =	shalt  }
0x80: {  	_ =	shalt  }
0x81: {  	_ =	shalt  }
0x82: {  	_ =	shalt  }
0x83: {  	_ =	shalt  }
0x84: {  	_ =	shalt  }
0x85: {  	_ =	shalt  }
0x86: {  	_ =	shalt  }
0x87: {  	_ =	shalt  }
.Lfunc_end0:
.L_simem_size_0:
called_computation_lowered:
.L_overlay_start_0:
0x88: {  	s2 =	sld [smem:$0x3FD9]  }
0x89: {  	s3 =	sld [smem:$0x3FFE];
	_ =	sdelay $0x1  }
0x8a: {  	s1 =	srdreg.scid  }
0x8b: {  	s0 =	sand.u32 $0x1, s1  }
0x8c: {  	s17 =	sshll.u32 s0, $0xA;
	s2 =	sadd.s32 s3, s2  }
0x8d: {  	s2 =	sadd.s32 s2, s17  }
0x8e: {  	[smem:$0x3FC2] =	sst s2  }
0x8f: {  	_ = 	snop  }
0x90: {  	s2 =	sld [smem:$0x3FD0];
	(tm) =	ssettm $0x1  }
0x91: {  	s18 =	sld [smem:$0x3FFB];
	_ =	sdelay $0x3  }
0x92: {  	_ =	strace s18  }
0x93: {  	s3 =	sld [smem:$0x3FFC];
	_ =	sdelay $0x3  }
0x94: {  	_ =	strace s3  }
0x95: {  	s3 =	sld [smem:$0x3FFD];
	_ =	sdelay $0x3  }
0x96: {  	_ =	strace s3  }
0x97: {  	_ =	strace $0x8FFFFFFF  }
0x98: {  	s19 =	sld [smem:$0x3FDB];
	_ =	sdelay $0x1  }
0x99: {  	s4 =	simm.s32 $_scs_section_size  }
0x9a: {  	s5 =	simm.s32 $_size__tile_overlayer_lowered;
	s6 =	simm.s32 $_tile_overlayer_lowered  }
0x9b: {  	s22 =	simm.s32 $0x1BFF;
	s21 =	sshll.u32 s6, $0x1;
	s3 =	sadd.s32 s4, s19  }
0x9c: {  	s7 =	simm.s32 $0x0;
	s20 =	sshll.u32 s5, $0x1;
	s5 =	sadd.s32 s21, s3  }
0x9d: {  	[timem:s7], [sflag:s22] =	dma.local [hbm:s5], s20  }
0x9e: {  	_ =	swait.ge [sflag:s22], s20  }
0x9f: {  	s4 =	ssub.s32 $0x0, s20;
	[sflag:s22] =	ssyncset.done $0x0  }
0xa0: {  	[sflag:s22] =	ssyncadd.s32 s4;
	_ =	sdelay $0x1  }
0xa1: {  	s23 =	simm.s32 $0x1B8B  }
0xa2: {  	_ =	swait.ge [sflag:s23], $0x1  }
0xa3: {  	[sflag:s23] =	ssyncset.done $0x0  }
0xa4: {  	s25 =	simm.s32 $0x1B8E;
	s24 =	sld [smem:$0x3FFE];
	[sflag:s23] =	ssyncadd.s32 $0xFFFFFFFF  }
0xa5: {  	s26 =	simm.s32 $execute0_lowered;
	[smem:$0x3FD2] =	sst s25  }
0xa6: {  	s5 =	sshll.u32 s26, $0x1;
	_ =	strace $0x80000046;
	[dreg:$0x1] =	wrdreg $0xFFFFFFFF  }
0xa7: {  	s28 =	simm.s32 $_size_execute0_lowered;
	s3 =	sadd.s32 s3, s5;
	[dreg:$0x0] =	wrdreg $0x0  }
0xa8: {  	s5 =	sshll.u32 s28, $0x1;
	[dreg:$0x2] =	wrdreg s3  }
0xa9: {  	[dreg:$0x3] =	wrdreg s5  }
0xaa: {  	[dreg:$0x4] =	wrdreg $0xC0  }
0xab: {  	_ =	task [dreg:s7], $0x5FFFF  }
0xac: {  	[dreg:$0x1] =	wrdreg $0xFFFFFFFF  }
0xad: {  	[dreg:$0x0] =	wrdreg $0x60  }
0xae: {  	[dreg:$0x2] =	wrdreg s2  }
0xaf: {  	[dreg:$0x3] =	wrdreg s24  }
0xb0: {  	[dreg:$0x4] =	wrdreg $0x51800  }
0xb1: {  	[dreg:$0x5] =	wrdreg $0x54000  }
0xb2: {  	[dreg:$0x6] =	wrdreg $0x9  }
0xb3: {  	_ =	task.clear_ibuf [dreg:s7], $0x7FFFF;
	_ =	strace $0x90000046  }
0xb4: {  	s29 =	simm.s32 $0x9;
	_ =	strace $0x80000048  }
0xb5: {  	_ =	swait.ge [sflag:s29], $0x1  }
0xb6: {  	[sflag:s29] =	ssyncadd.s32 $0xFFFFFFFF  }
0xb7: {  	_ =	strace $0x90000048  }
0xb8: {  	_ =	sfence  }
0xb9: {  	s30 =	sld [smem:$0x0];
	_ =	sdelay $0x2  }
0xba: {  	s31 =	sshll.u32 s1, $0xD;
	s1 =	sshrl.u32 s1, $0x2  }
0xbb: {  	s3 =	sand.u32 $0x4000, s31;
	s1 =	sadd.s32 s1, s30  }
0xbc: {  	s0 =	sor.u32 s3, s0;
	s1 =	sshll.u32 s1, $0x11  }
0xbd: {  	s0 =	sor.u32 s1, s0  }
0xbe: {  	s0 =	sadd.s32 $0x8F2B, s0  }
0xbf: {  	[sflag:s0] =	ssyncadd.remote.s32 $0x1  }
0xc0: {  	_ =	sfence.sel $0xFFFF  }
0xc1: {  	[dreg:$0x0] =	wrdreg $0xFFFFFFFF;
	(pc) =	sbr.abs _section_cstart, $3  }
0xc2: {  	[dreg:$0x1] =	wrdreg $0xFFFFFFFF  }
0xc3: {  	_ =	task.clear_ibuf [dreg:s7], $0x2FFFF;
	_ =	strace $0x9FFFFFFF  }
0xc4: {  	(tm) =	ssettm $0x7FFFFFFF  }
0xc5: {  	_ =	shalt  }
tec
execute0_lowered:
.L_overlay_start_1:
0x0: {  	(tag) =	ssettag $0x1  }
0x1: {  	s0 =	rddreg [dreg:$0x0]  }
0x2: {  	s8 =	rddreg [dreg:$0x1]  }
0x3: {  	s3 =	rddreg [dreg:$0x2];
	s1 =	srdreg.scid  }
0x4: {  	s4 =	rddreg [dreg:$0x3];
	s2 =	stileid.u32  }
0x5: {  	s5 =	simm.s32 $0x0;
	s16 =	simm.s32 $0x2900;
	s18 =	simm.s32 $0x3  }
0x6: {  	s21 =	simm.s32 $0x1;
	s22 =	simm.s32 $0x2;
	s24 =	simm.s32 $0x10  }
0x7: {  	s9 =	sand.u32 $0x1, s1;
	s1 =	rddreg [dreg:$0x4];
	s10 =	smul.u32 $0x500, s2  }
0x8: {  	s25 =	simm.s32 $0x0;
	[smem:$0x7FF] =	sst s5;
	s14 =	smul.u32 $0x280, s2  }
0x9: {  	s6 =	sadd.s32 $0x2800, s8;
	s31 =	sshll.u32 s2, $0x6;
	s7 =	smul.u32 $0x5000, s9  }
0xa: {  	_ =	strace $0x80000047;
	s11 =	sshll.u32 s9, $0x4;
	s9 =	ssub.s32 $0x2, s9  }
0xb: {  	s29 =	sor.u32 s2, s11;
	s30 =	sshrl.u32 s9, $0x1;
	s17 =	sadd.s32 s14, s3  }
0xc: {  	s19 =	sadd.s32 s14, s4;
	s14 =	simm.s32 $0x100;
	s10 =	sadd.s32 s10, s7  }
0xd: {  	s7 =	sadd.s32 $0x2A00, s8;
	p0 =	slt.u32 s29, $0x4;
	s11 =	smul.u32 $0x4E, s29  }
0xe: {  	v5 =	vlaneseq.u32;
	s13 =	smin.u32 s29, $0x4;
	s15 =	ssub.s32 s9, s30;
	s10 =	sshrl.u32 s10, $0x3  }
0xf: {  	v6 =	vor.u32 $0x10, v5;
	v7 =	vor.u32 $0x20, v5;
	v8 =	vor.u32 $0x30, v5;
	s12 =	sadd.s32 s10, s8;
	s8 =	simm.s32 $0x4E;
	s20 =	sadd.s32 s13, s11  }
0x10: {  	v4 =	vor.u32 $0x40, v5;
	s9 =	sor.u32 $0x1C03, s31;
	s17 =	sshrl.u32 s17, $0x3;
	s8 =	simm.s32 @!p0 $0x4D;
	v0 =	vadd.s32 s20, v5;
	v1 =	vadd.s32 s20, v6  }
0x11: {  	s19 =	sshrl.u32 s19, $0x3;
	s13 =	simm.s32 $0x50;
	s23 =	sadd.s32 $0x9C4, s20;
	v2 =	vadd.s32 s20, v7;
	v3 =	vadd.s32 s20, v8;
	v9 =	vmin.u32 v4, s8  }
0x12: {  	s10 =	sadd.s32 $0x2C00, s12;
	s11 =	sadd.s32 $0x2C10, s12;
	s12 =	smax.u32 s15, $0x1;
	v5 =	vadd.s32 s23, v5;
	v6 =	vadd.s32 s23, v6;
	v7 =	vadd.s32 s23, v7  }
0x13: {  	s15 =	simm.s32 $0x80;
	v8 =	vadd.s32 s23, v8;
	v4 =	vadd.s32 s20, v9;
	s20 =	simm.s32 $0x5100;
	v9 =	vadd.s32 s23, v9;
	s23 =	simm.s32 $0x20  }
.LBB2_1:
0x14: {  	[tilespmem:$0x0] =	vst v0  }
0x15: {  	[tilespmem:$0x10] =	vst v1  }
0x16: {  	[tilespmem:$0x20] =	vst v2  }
0x17: {  	[tilespmem:$0x30] =	vst v3  }
0x18: {  	[tilespmem:$0x40] =	vst v4  }
0x19: {  	[tilespmem:$0x80] =	vst v5  }
0x1a: {  	[tilespmem:$0x90] =	vst v6  }
0x1b: {  	[tilespmem:$0xA0] =	vst v7  }
0x1c: {  	[tilespmem:$0xB0] =	vst v8  }
0x1d: {  	[tilespmem:$0xC0] =	vst v9  }
0x1e: {  	[tilespmem:s14], [sflag:$0x1] =	stream.indirect.gather [hbm4b:s0+s13], $0x80, s5, s13, $0xb8;
	[tilespmem:$0x5680] =	vst v63  }
0x1f: {  	_ = 	snop  }
0x20: {  	[tilespmem:s16], [sflag:$0x2] =	stream.indirect.gather [hbm4b:s0+s13], $0x80, s15, s13, $0xb8;
	[tilespmem:$0x5680] =	vst v63  }
0x21: {  	[spmem:s17], [sflag:s9] =	dma.local [hbm:s7], $0x50  }
0x22: {  	_ =	swait.ge [sflag:s18], $0x50  }
0x23: {  	[sflag:s18] =	ssyncset.done $0x0  }
0x24: {  	[sflag:s18] =	ssyncadd.s32 $0xFFFFFFB0  }
0x25: {  	[spmem:s19], [sflag:s9] =	dma.local [hbm:s7], $0x50  }
0x26: {  	_ =	swait.ge [sflag:s18], $0x50  }
0x27: {  	[sflag:s18] =	ssyncset.done $0x0  }
0x28: {  	[sflag:s18] =	ssyncadd.s32 $0xFFFFFFB0  }
0x29: {  	[tilespmem:s20], [sflag:$0x3] =	stream.linear.gather [hbm4b:s6+s5], $0x80, $0x38;
	[tilespmem:$0x5680] =	vst v63  }
0x2a: {  	_ =	swait.ge [sflag:s18], $0x80  }
0x2b: {  	[sflag:s18] =	ssyncset.done $0x0  }
0x2c: {  	[sflag:s18] =	ssyncadd.s32 $0xFFFFFF80  }
0x2d: {  	_ =	swait.ge [sflag:s21], $0x2800  }
0x2e: {  	[sflag:s21] =	ssyncset.done $0x0  }
0x2f: {  	[sflag:s21] =	ssyncadd.s32 $0xFFFFD800  }
0x30: {  	_ =	swait.ge [sflag:s22], $0x2800  }
0x31: {  	[sflag:s22] =	ssyncset.done $0x0  }
0x32: {  	[sflag:s22] =	ssyncadd.s32 $0xFFFFD800  }
0x33: {  	[bflag:$0x0] =	sbarrier.arrive $0xFFFF  }
0x34: {  	[spmem:s3] =	stream.indirect.scatter.add.f32 [tilespmem:s20], [sflag:$0x1], $0x1, s14, s15, $0xb8;
	[tilespmem:$0x5680] =	vst v63  }
0x35: {  	_ = 	snop  }
0x36: {  	[spmem:s4] =	stream.indirect.scatter.add.f32 [tilespmem:s20], [sflag:$0x2], $0x1, s16, s15, $0xb8;
	[tilespmem:$0x5680] =	vst v63  }
0x37: {  	s26 =	simm.s32 $0x180  }
0x38: {  	[spmem:s3] =	stream.indirect.scatter.add.f32 [tilespmem:s20], [sflag:$0x1], $0x1, s26, s15, $0xb8;
	[tilespmem:$0x5680] =	vst v63  }
0x39: {  	s28 =	simm.s32 $0x2980;
	p0 =	sne.s32 s8, $0x1  }
0x3a: {  	[spmem:s4] =	stream.indirect.scatter.add.f32 [tilespmem:s20], [sflag:$0x2], $0x1, s28, s15, $0xb8;
	[tilespmem:$0x5680] =	vst v63  }
.Ltmp0:
0x3b: {  	_ =	swait.ge [sflag:s21], $0x80;
	(pc) =	sbr.rel @!p0 .LBB2_3-.Ltmp0, $4  }
0x3c: {  	[sflag:s21] =	ssyncset.done $0x0  }
0x3d: {  	[sflag:s21] =	ssyncadd.s32 $0xFFFFFF80  }
0x3e: {  	_ =	swait.ge [sflag:s22], $0x80  }
0x3f: {  	s29 =	sadd.s32 $0xFFFFFFFF, s8;
	[sflag:s22] =	ssyncset.done $0x0  }
.LBB2_2:
0x40: {  	[sflag:s22] =	ssyncadd.s32 $0xFFFFFF80;
	s26 =	sadd.s32 $0x80, s26;
	s28 =	sadd.s32 $0x80, s28  }
0x41: {  	[spmem:s3] =	stream.indirect.scatter.add.f32 [tilespmem:s20], [sflag:$0x1], $0x1, s26, s15, $0xb8;
	[tilespmem:$0x5680] =	vst v63  }
0x42: {  	p0 =	sne.s32 s29, $0x1;
	s29 =	sadd.s32 $0xFFFFFFFF, s29  }
0x43: {  	[spmem:s4] =	stream.indirect.scatter.add.f32 [tilespmem:s20], [sflag:$0x2], $0x1, s28, s15, $0xb8;
	[tilespmem:$0x5680] =	vst v63  }
.Ltmp1:
0x44: {  	_ =	swait.ge [sflag:s21], $0x80;
	(pc) =	sbr.rel @p0 .LBB2_2-.Ltmp1, $4  }
0x45: {  	[sflag:s21] =	ssyncset.done $0x0  }
0x46: {  	[sflag:s21] =	ssyncadd.s32 $0xFFFFFF80  }
0x47: {  	_ =	swait.ge [sflag:s22], $0x80  }
0x48: {  	[sflag:s22] =	ssyncset.done $0x0  }
.LBB2_3:
0x49: {  	[sflag:s22] =	ssyncadd.s32 $0xFFFFFF80  }
0x4a: {  	_ =	swait.ge [sflag:s21], $0x80  }
0x4b: {  	[sflag:s21] =	ssyncset.done $0x0  }
0x4c: {  	[sflag:s21] =	ssyncadd.s32 $0xFFFFFF80  }
0x4d: {  	_ =	swait.ge [sflag:s22], $0x80  }
0x4e: {  	[sflag:s22] =	ssyncset.done $0x0  }
0x4f: {  	[sflag:s22] =	ssyncadd.s32 $0xFFFFFF80  }
0x50: {  	[bflag:$0x0] =	sbarrier.arrive $0xFFFF  }
0x51: {  	[hbm:s10@s23], [sflag:s9] =	dma.strided [spmem:s17@s24], $0x50, s21, $0x10   }
0x52: {  	s25 =	sadd.s32 $0x1, s25;
	_ =	swait.ge [sflag:s18], $0x50  }
0x53: {  	p0 =	sne.s32 s25, s12;
	[sflag:s18] =	ssyncset.done $0x0  }
.Ltmp2:
0x54: {  	[sflag:s18] =	ssyncadd.s32 $0xFFFFFFB0;
	(pc) =	sbr.rel @p0 .LBB2_1-.Ltmp2, $4  }
0x55: {  	[hbm:s11@s23], [sflag:s9] =	dma.strided [spmem:s19@s24], $0x50, s21, $0x10   }
0x56: {  	_ =	swait.ge [sflag:s18], $0x50  }
0x57: {  	[sflag:s18] =	ssyncset.done $0x0  }
0x58: {  	[sflag:s18] =	ssyncadd.s32 $0xFFFFFFB0  }
0x59: {  	_ =	sfence.sel $0x180000  }
0x5a: {  	[bflag:$0x0] =	sbarrier.arrive $0xFFFF  }
0x5b: {  	p0 =	sne.s32 s2, $0x0;
	_ =	strace $0x90000047  }
0x5c: {  	s0 =	sadd.s32 @!p0 $0x100000, s1;
	[bflag:$0x2] =	sbarrier.arrive $0xFFFF  }
0x5d: {  	[sflag:s0] =	ssyncadd.tile.s32 @!p0 $0x1;
	_ =	shalt  }
.Lfunc_end2:
_tile_overlayer_lowered:
.L_overlay_start_2:
0x5e: {  	(tag) =	ssettag $0x2  }
0x5f: {  	s0 =	rddreg [dreg:$0x0];
	s2 =	stileid.u32  }
0x60: {  	s1 =	rddreg [dreg:$0x1];
	p0 =	sne.s32 s2, $0x0  }
0x61: {  	s3 =	rddreg [dreg:$0x2];
	[bflag:$0x3] =	sbarrier.arrive $0xFFFF;
	s2 =	simm.s32 @!p0 $0x1C03  }
0x62: {  	[timem:s3], [sflag:s2] =	dma.local @!p0 [hbm:s0], s1  }
0x63: {  	s0 =	simm.s32 @!p0 $0x3  }
0x64: {  	_ =	swait.ge @!p0 [sflag:s0], s1  }
0x65: {  	s1 =	ssub.s32 @!p0 $0x0, s1;
	[sflag:s0] =	ssyncset.done @!p0 $0x0  }
0x66: {  	[sflag:s0] =	ssyncadd.s32 @!p0 s1  }
0x67: {  	[bflag:$0x3] =	sbarrier.arrive $0xFFFF  }
0x68: {  	_ =	shalt  }

</sc_bundles>
